<compile_context>
chip_gen: v7x
topology: tpu7x:2x2x1
jax: 0.10.2.dev20260603
libtpu: 0.0.44.dev20260713+nightly
codegen_flags: <defaults>
</compile_context>

<pallas_src>
import jax
import jax.numpy as jnp
from jax import lax
from jax.experimental import pallas as pl
from jax.experimental.pallas import tpu as pltpu
from jax.experimental.pallas import tpu_sc as plsc

NUM_CLASSES = 100000
FEATURE_DIM = 64
BATCH = 16384

_NC, _NS, _L = 2, 16, 16
_NW = _NC * _NS
_DPW = FEATURE_DIM // _NW
_NQ = 4
_QB = BATCH // _NQ
_UNROLL = 4
_CHUNKS = _QB // (_L * _UNROLL)


def _center_loss_body(feats_t_hbm, labels_hbm, centers_t_hbm, out_hbm,
                      crow_v, lab_v, frow0_v, frow1_v, acc_v,
                      csem, lsem, fsem0, fsem1):
    wid = lax.axis_index("s") * _NC + lax.axis_index("c")
    frows = (frow0_v, frow1_v)
    fsems = (fsem0, fsem1)

    pltpu.make_async_copy(labels_hbm, lab_v, lsem).start()

    def make_quarter(dim, q):
        return pltpu.make_async_copy(
            feats_t_hbm.at[dim, pl.ds(q * _QB, _QB)], frows[q % 2], fsems[q % 2])

    def dim_body(j, accs):
        dim = wid * _DPW + j
        crow_cp = pltpu.make_async_copy(centers_t_hbm.at[dim], crow_v, csem)
        crow_cp.start()
        make_quarter(dim, 0).start()

        @pl.when(j == 0)
        def _():
            pltpu.make_async_copy(labels_hbm, lab_v, lsem).wait()

        crow_cp.wait()
        for q in range(_NQ):
            make_quarter(dim, q).wait()
            if q + 1 < _NQ:
                make_quarter(dim, q + 1).start()
            frow = frows[q % 2]
            lab_base = q * _QB

            def chunk(k, accs, _lab_base=lab_base, _frow=frow):
                a0, a1 = accs
                base = k * (_L * _UNROLL)
                for u in range(_UNROLL):
                    off = base + u * _L
                    idx = lab_v[pl.ds(_lab_base + off, _L)]
                    c = plsc.load_gather(crow_v, [idx])
                    f = _frow[pl.ds(off, _L)]
                    d = f - c
                    if u % 2 == 0:
                        a0 = a0 + d * d
                    else:
                        a1 = a1 + d * d
                return a0, a1

            accs = plsc.parallel_loop(0, _CHUNKS, unroll=2, carry=accs)(chunk)
        return accs

    zero = jnp.zeros((_L,), jnp.float32)
    accs = lax.fori_loop(0, _DPW, dim_body, (zero, zero))

    acc_v[...] = accs[0] + accs[1]
    pltpu.sync_copy(acc_v, out_hbm.at[pl.ds(wid * _L, _L)])


@jax.jit
def _center_loss(features, labels, centers):
    mesh = plsc.VectorSubcoreMesh(core_axis_name="c", subcore_axis_name="s")
    partials = pl.kernel(
        _center_loss_body,
        out_type=jax.ShapeDtypeStruct((_NW * _L,), jnp.float32),
        mesh=mesh,
        compiler_params=pltpu.CompilerParams(needs_layout_passes=False, disable_bounds_checks=True),
        scratch_types=[
            pltpu.VMEM((NUM_CLASSES,), jnp.float32),
            pltpu.VMEM((BATCH,), jnp.int32),
            pltpu.VMEM((_QB,), jnp.float32),
            pltpu.VMEM((_QB,), jnp.float32),
            pltpu.VMEM((_L,), jnp.float32),
            pltpu.SemaphoreType.DMA,
            pltpu.SemaphoreType.DMA,
            pltpu.SemaphoreType.DMA,
            pltpu.SemaphoreType.DMA,
        ],
    )(features.T, labels.astype(jnp.int32), centers.T)
    return jnp.sum(partials) / (BATCH * FEATURE_DIM)


def kernel(features, labels, centers):
    return _center_loss(features, labels, centers)

# --- scband reference (transcript-rebuilt; emitter-appended) ---
"""Pipeline reference for scband-center-loss-22969485099468 (READ-ONLY COPY).

The authoritative reference and input builder live on the scoring server;
editing this copy changes nothing except your own understanding.
"""

import jax, jax.numpy as jnp
import numpy as np

NUM_CLASSES = 100000
FEATURE_DIM = 64
BATCH = 16384


def setup_inputs(seed: int = 0) -> dict:
    key = jax.random.key(seed)
    k1, k2, k3 = jax.random.split(key, 3)
    features = jax.random.normal(k1, (BATCH, FEATURE_DIM), dtype=jnp.float32)
    labels = jax.random.randint(k2, (BATCH,), 0, NUM_CLASSES, dtype=jnp.int64)
    centers = jax.random.normal(k3, (NUM_CLASSES, FEATURE_DIM), dtype=jnp.float32)
    return {"features": features, "labels": labels, "centers": centers}


def reference(features, labels, centers):
    # centers_batch = self.centers[labels]  -> gather (embedding lookup)
    centers_batch = jnp.take(centers, labels, axis=0)
    # F.mse_loss with default reduction='mean'
    loss = jnp.mean((features - centers_batch) ** 2)
    return loss

if __name__ == "__main__":
    import jax
    _d = setup_inputs()
    print(jax.jit(kernel)(*tuple(_d.values())))

</pallas_src>

<mosaic_0001>
#map = affine_map<(d0, d1) -> (0, 0)>
#map1 = affine_map<(d0, d1) -> (0)>
module attributes {stable_mosaic.version = 14 : i64} {
  func.func @_center_loss_body(%arg0: i32, %arg1: i32, %arg2: memref<64x16384xf32, #tpu.memory_space<hbm>>, %arg3: memref<16384xi32, #tpu.memory_space<hbm>>, %arg4: memref<64x100000xf32, #tpu.memory_space<hbm>>, %arg5: memref<512xf32, #tpu.memory_space<hbm>>, %arg6: memref<100000xf32, #tpu.memory_space<vmem>>, %arg7: memref<16384xi32, #tpu.memory_space<vmem>>, %arg8: memref<4096xf32, #tpu.memory_space<vmem>>, %arg9: memref<4096xf32, #tpu.memory_space<vmem>>, %arg10: memref<16xf32, #tpu.memory_space<vmem>>, %arg11: memref<!tpu.dma_semaphore, #tpu.memory_space<semaphore_mem>>, %arg12: memref<!tpu.dma_semaphore, #tpu.memory_space<semaphore_mem>>, %arg13: memref<!tpu.dma_semaphore, #tpu.memory_space<semaphore_mem>>, %arg14: memref<!tpu.dma_semaphore, #tpu.memory_space<semaphore_mem>>) attributes {dimension_semantics = [#tpu.dimension_semantics<core_parallel>, #tpu.dimension_semantics<subcore_parallel>], iteration_bounds = array<i64: 2, 16>, scalar_prefetch = 0 : i64, scratch_operands = 9 : i64, tpu.core_type = #tpu.core_type<sc_vector_subcore>, window_params = [{transform_indices = #map}, {transform_indices = #map1}, {transform_indices = #map}, {transform_indices = #map1}]} {
    %mul3A = arith.constant 2 : i32
    %mul3A_0 = arith.muli %arg1, %mul3A : i32
    %add3A = arith.addi %mul3A_0, %arg0 : i32
    tpu.enqueue_dma source(%arg3 : memref<16384xi32, #tpu.memory_space<hbm>>) target(%arg7 : memref<16384xi32, #tpu.memory_space<vmem>>) target_semaphore(%arg12 : memref<!tpu.dma_semaphore, #tpu.memory_space<semaphore_mem>>)
    %broadcast_in_dim3A = arith.constant 0.000000e+00 : f32
    %broadcast_in_dim3A_1 = vector.broadcast %broadcast_in_dim3A : f32 to vector<16xf32>
    %scan3A = arith.constant 0 : i32
    %scan3A_2 = arith.constant 2 : i32
    %scan3A_3 = arith.addi %scan3A, %scan3A_2 : i32
    %scan3A_4 = arith.constant 1 : i32
    %scan3A_5:2 = scf.for %scan3A_11 = %scan3A to %scan3A_3 step %scan3A_4 iter_args(%scan3A_12 = %broadcast_in_dim3A_1, %scan3A_13 = %broadcast_in_dim3A_1) -> (vector<16xf32>, vector<16xf32>)  : i32 {
      %mul3A_14 = arith.constant 2 : i32
      %mul3A_15 = arith.muli %add3A, %mul3A_14 : i32
      %add3A_16 = arith.addi %mul3A_15, %scan3A_11 : i32
      %dma_start3A = arith.constant 0 : i32
      %dma_start3A_17 = tpu.memref_slice %arg4[%add3A_16, %dma_start3A] : memref<64x100000xf32, #tpu.memory_space<hbm>> -> memref<1x100000xf32, #tpu.memory_space<hbm>>
      %dma_start3A_18 = tpu.memref_squeeze %dma_start3A_17 : memref<1x100000xf32, #tpu.memory_space<hbm>> -> memref<100000xf32, #tpu.memory_space<hbm>>
      %dma_start3A_19 = arith.constant 0 : i32
      %dma_start3A_20 = tpu.memref_slice %arg4[%add3A_16, %dma_start3A_19] : memref<64x100000xf32, #tpu.memory_space<hbm>> -> memref<1x100000xf32, #tpu.memory_space<hbm>>
      %dma_start3A_21 = tpu.memref_squeeze %dma_start3A_20 : memref<1x100000xf32, #tpu.memory_space<hbm>> -> memref<100000xf32, #tpu.memory_space<hbm>>
      tpu.enqueue_dma source(%dma_start3A_21 : memref<100000xf32, #tpu.memory_space<hbm>>) target(%arg6 : memref<100000xf32, #tpu.memory_space<vmem>>) target_semaphore(%arg11 : memref<!tpu.dma_semaphore, #tpu.memory_space<semaphore_mem>>)
      %dma_start3A_22 = arith.constant 0 : i32
      %dma_start3A_23 = tpu.memref_slice %arg2[%add3A_16, %dma_start3A_22] : memref<64x16384xf32, #tpu.memory_space<hbm>> -> memref<1x4096xf32, #tpu.memory_space<hbm>>
      %dma_start3A_24 = tpu.memref_squeeze %dma_start3A_23 : memref<1x4096xf32, #tpu.memory_space<hbm>> -> memref<4096xf32, #tpu.memory_space<hbm>>
      %dma_start3A_25 = arith.constant 0 : i32
      %dma_start3A_26 = tpu.memref_slice %arg2[%add3A_16, %dma_start3A_25] : memref<64x16384xf32, #tpu.memory_space<hbm>> -> memref<1x4096xf32, #tpu.memory_space<hbm>>
      %dma_start3A_27 = tpu.memref_squeeze %dma_start3A_26 : memref<1x4096xf32, #tpu.memory_space<hbm>> -> memref<4096xf32, #tpu.memory_space<hbm>>
      tpu.enqueue_dma source(%dma_start3A_27 : memref<4096xf32, #tpu.memory_space<hbm>>) target(%arg8 : memref<4096xf32, #tpu.memory_space<vmem>>) target_semaphore(%arg13 : memref<!tpu.dma_semaphore, #tpu.memory_space<semaphore_mem>>)
      %eq3A = arith.constant 0 : i32
      %eq3A_28 = arith.cmpi eq, %scan3A_11, %eq3A : i32
      %convert_element_type3A = arith.extui %eq3A_28 : i1 to i32
      %cond3A = arith.constant 0 : i32
      %cond3A_29 = arith.cmpi ne, %convert_element_type3A, %cond3A : i32
      scf.if %cond3A_29 {
        tpu.wait_dma2 semaphore(%arg12 : memref<!tpu.dma_semaphore, #tpu.memory_space<semaphore_mem>>) src(%arg3 : memref<16384xi32, #tpu.memory_space<hbm>>) dst(%arg7 : memref<16384xi32, #tpu.memory_space<vmem>>)
      } else {
      }
      %dma_wait3A = arith.constant 0 : i32
      %dma_wait3A_30 = tpu.memref_slice %arg4[%add3A_16, %dma_wait3A] : memref<64x100000xf32, #tpu.memory_space<hbm>> -> memref<1x100000xf32, #tpu.memory_space<hbm>>
      %dma_wait3A_31 = tpu.memref_squeeze %dma_wait3A_30 : memref<1x100000xf32, #tpu.memory_space<hbm>> -> memref<100000xf32, #tpu.memory_space<hbm>>
      %dma_wait3A_32 = arith.constant 0 : i32
      %dma_wait3A_33 = tpu.memref_slice %arg4[%add3A_16, %dma_wait3A_32] : memref<64x100000xf32, #tpu.memory_space<hbm>> -> memref<1x100000xf32, #tpu.memory_space<hbm>>
      %dma_wait3A_34 = tpu.memref_squeeze %dma_wait3A_33 : memref<1x100000xf32, #tpu.memory_space<hbm>> -> memref<100000xf32, #tpu.memory_space<hbm>>
      tpu.wait_dma2 semaphore(%arg11 : memref<!tpu.dma_semaphore, #tpu.memory_space<semaphore_mem>>) src(%dma_wait3A_34 : memref<100000xf32, #tpu.memory_space<hbm>>) dst(%arg6 : memref<100000xf32, #tpu.memory_space<vmem>>)
      %dma_wait3A_35 = arith.constant 0 : i32
      %dma_wait3A_36 = tpu.memref_slice %arg2[%add3A_16, %dma_wait3A_35] : memref<64x16384xf32, #tpu.memory_space<hbm>> -> memref<1x4096xf32, #tpu.memory_space<hbm>>
      %dma_wait3A_37 = tpu.memref_squeeze %dma_wait3A_36 : memref<1x4096xf32, #tpu.memory_space<hbm>> -> memref<4096xf32, #tpu.memory_space<hbm>>
      %dma_wait3A_38 = arith.constant 0 : i32
      %dma_wait3A_39 = tpu.memref_slice %arg2[%add3A_16, %dma_wait3A_38] : memref<64x16384xf32, #tpu.memory_space<hbm>> -> memref<1x4096xf32, #tpu.memory_space<hbm>>
      %dma_wait3A_40 = tpu.memref_squeeze %dma_wait3A_39 : memref<1x4096xf32, #tpu.memory_space<hbm>> -> memref<4096xf32, #tpu.memory_space<hbm>>
      tpu.wait_dma2 semaphore(%arg13 : memref<!tpu.dma_semaphore, #tpu.memory_space<semaphore_mem>>) src(%dma_wait3A_40 : memref<4096xf32, #tpu.memory_space<hbm>>) dst(%arg8 : memref<4096xf32, #tpu.memory_space<vmem>>)
      %dma_start3A_41 = arith.constant 4096 : i32
      %dma_start3A_42 = tpu.memref_slice %arg2[%add3A_16, %dma_start3A_41] : memref<64x16384xf32, #tpu.memory_space<hbm>> -> memref<1x4096xf32, #tpu.memory_space<hbm>>
      %dma_start3A_43 = tpu.memref_squeeze %dma_start3A_42 : memref<1x4096xf32, #tpu.memory_space<hbm>> -> memref<4096xf32, #tpu.memory_space<hbm>>
      %dma_start3A_44 = arith.constant 4096 : i32
      %dma_start3A_45 = tpu.memref_slice %arg2[%add3A_16, %dma_start3A_44] : memref<64x16384xf32, #tpu.memory_space<hbm>> -> memref<1x4096xf32, #tpu.memory_space<hbm>>
      %dma_start3A_46 = tpu.memref_squeeze %dma_start3A_45 : memref<1x4096xf32, #tpu.memory_space<hbm>> -> memref<4096xf32, #tpu.memory_space<hbm>>
      tpu.enqueue_dma source(%dma_start3A_46 : memref<4096xf32, #tpu.memory_space<hbm>>) target(%arg9 : memref<4096xf32, #tpu.memory_space<vmem>>) target_semaphore(%arg14 : memref<!tpu.dma_semaphore, #tpu.memory_space<semaphore_mem>>)
      %parallel_loop3A = arith.constant 0 : i32
      %parallel_loop3A_47 = arith.constant 64 : i32
      %parallel_loop3A_48 = arith.constant 1 : i32
      %parallel_loop3A_49:2 = scf.for %parallel_loop3A_92 = %parallel_loop3A to %parallel_loop3A_47 step %parallel_loop3A_48 iter_args(%parallel_loop3A_93 = %scan3A_12, %parallel_loop3A_94 = %scan3A_13) -> (vector<16xf32>, vector<16xf32>)  : i32 {
        %parallel_loop3A_95 = arith.constant 64 : i32
        %parallel_loop3A_96 = arith.muli %parallel_loop3A_92, %parallel_loop3A_95 : i32
        %parallel_loop3A_97 = arith.constant 0 : i32
        %parallel_loop3A_98 = arith.addi %parallel_loop3A_96, %parallel_loop3A_97 : i32
        %parallel_loop3A_99 = arith.constant 0 : i32
        %parallel_loop3A_100 = arith.addi %parallel_loop3A_99, %parallel_loop3A_98 : i32
        %parallel_loop3A_101 = arith.index_cast %parallel_loop3A_100 : i32 to index
        %parallel_loop3A_102 = tpu.vector_load %arg7[%parallel_loop3A_101] {strides = array<i32>} : memref<16384xi32, #tpu.memory_space<vmem>>, vector<16xi32>,
        %parallel_loop3A_103 = tpu.vector_load_idx %arg6[%parallel_loop3A_102] : memref<100000xf32, #tpu.memory_space<vmem>>[vector<16xi32>], vector<16xf32>,
        %parallel_loop3A_104 = arith.index_cast %parallel_loop3A_98 : i32 to index
        %parallel_loop3A_105 = tpu.vector_load %arg8[%parallel_loop3A_104] {strides = array<i32>} : memref<4096xf32, #tpu.memory_space<vmem>>, vector<16xf32>,
        %parallel_loop3A_106 = arith.subf %parallel_loop3A_105, %parallel_loop3A_103 : vector<16xf32>
        %parallel_loop3A_107 = arith.mulf %parallel_loop3A_106, %parallel_loop3A_106 : vector<16xf32>
        %parallel_loop3A_108 = arith.addf %parallel_loop3A_93, %parallel_loop3A_107 : vector<16xf32>
        %parallel_loop3A_109 = arith.constant 16 : i32
        %parallel_loop3A_110 = arith.addi %parallel_loop3A_96, %parallel_loop3A_109 : i32
        %parallel_loop3A_111 = arith.constant 0 : i32
        %parallel_loop3A_112 = arith.addi %parallel_loop3A_111, %parallel_loop3A_110 : i32
        %parallel_loop3A_113 = arith.index_cast %parallel_loop3A_112 : i32 to index
        %parallel_loop3A_114 = tpu.vector_load %arg7[%parallel_loop3A_113] {strides = array<i32>} : memref<16384xi32, #tpu.memory_space<vmem>>, vector<16xi32>,
        %parallel_loop3A_115 = tpu.vector_load_idx %arg6[%parallel_loop3A_114] : memref<100000xf32, #tpu.memory_space<vmem>>[vector<16xi32>], vector<16xf32>,
        %parallel_loop3A_116 = arith.index_cast %parallel_loop3A_110 : i32 to index
        %parallel_loop3A_117 = tpu.vector_load %arg8[%parallel_loop3A_116] {strides = array<i32>} : memref<4096xf32, #tpu.memory_space<vmem>>, vector<16xf32>,
        %parallel_loop3A_118 = arith.subf %parallel_loop3A_117, %parallel_loop3A_115 : vector<16xf32>
        %parallel_loop3A_119 = arith.mulf %parallel_loop3A_118, %parallel_loop3A_118 : vector<16xf32>
        %parallel_loop3A_120 = arith.addf %parallel_loop3A_94, %parallel_loop3A_119 : vector<16xf32>
        %parallel_loop3A_121 = arith.constant 32 : i32
        %parallel_loop3A_122 = arith.addi %parallel_loop3A_96, %parallel_loop3A_121 : i32
        %parallel_loop3A_123 = arith.constant 0 : i32
        %parallel_loop3A_124 = arith.addi %parallel_loop3A_123, %parallel_loop3A_122 : i32
        %parallel_loop3A_125 = arith.index_cast %parallel_loop3A_124 : i32 to index
        %parallel_loop3A_126 = tpu.vector_load %arg7[%parallel_loop3A_125] {strides = array<i32>} : memref<16384xi32, #tpu.memory_space<vmem>>, vector<16xi32>,
        %parallel_loop3A_127 = tpu.vector_load_idx %arg6[%parallel_loop3A_126] : memref<100000xf32, #tpu.memory_space<vmem>>[vector<16xi32>], vector<16xf32>,
        %parallel_loop3A_128 = arith.index_cast %parallel_loop3A_122 : i32 to index
        %parallel_loop3A_129 = tpu.vector_load %arg8[%parallel_loop3A_128] {strides = array<i32>} : memref<4096xf32, #tpu.memory_space<vmem>>, vector<16xf32>,
        %parallel_loop3A_130 = arith.subf %parallel_loop3A_129, %parallel_loop3A_127 : vector<16xf32>
        %parallel_loop3A_131 = arith.mulf %parallel_loop3A_130, %parallel_loop3A_130 : vector<16xf32>
        %parallel_loop3A_132 = arith.addf %parallel_loop3A_108, %parallel_loop3A_131 : vector<16xf32>
        %parallel_loop3A_133 = arith.constant 48 : i32
        %parallel_loop3A_134 = arith.addi %parallel_loop3A_96, %parallel_loop3A_133 : i32
        %parallel_loop3A_135 = arith.constant 0 : i32
        %parallel_loop3A_136 = arith.addi %parallel_loop3A_135, %parallel_loop3A_134 : i32
        %parallel_loop3A_137 = arith.index_cast %parallel_loop3A_136 : i32 to index
        %parallel_loop3A_138 = tpu.vector_load %arg7[%parallel_loop3A_137] {strides = array<i32>} : memref<16384xi32, #tpu.memory_space<vmem>>, vector<16xi32>,
        %parallel_loop3A_139 = tpu.vector_load_idx %arg6[%parallel_loop3A_138] : memref<100000xf32, #tpu.memory_space<vmem>>[vector<16xi32>], vector<16xf32>,
        %parallel_loop3A_140 = arith.index_cast %parallel_loop3A_134 : i32 to index
        %parallel_loop3A_141 = tpu.vector_load %arg8[%parallel_loop3A_140] {strides = array<i32>} : memref<4096xf32, #tpu.memory_space<vmem>>, vector<16xf32>,
        %parallel_loop3A_142 = arith.subf %parallel_loop3A_141, %parallel_loop3A_139 : vector<16xf32>
        %parallel_loop3A_143 = arith.mulf %parallel_loop3A_142, %parallel_loop3A_142 : vector<16xf32>
        %parallel_loop3A_144 = arith.addf %parallel_loop3A_120, %parallel_loop3A_143 : vector<16xf32>
        scf.yield %parallel_loop3A_132, %parallel_loop3A_144 : vector<16xf32>, vector<16xf32>
      } {sc.loop_unroll_factor = 2 : i64, sc.parallel_access}
      %dma_wait3A_50 = arith.constant 4096 : i32
      %dma_wait3A_51 = tpu.memref_slice %arg2[%add3A_16, %dma_wait3A_50] : memref<64x16384xf32, #tpu.memory_space<hbm>> -> memref<1x4096xf32, #tpu.memory_space<hbm>>
      %dma_wait3A_52 = tpu.memref_squeeze %dma_wait3A_51 : memref<1x4096xf32, #tpu.memory_space<hbm>> -> memref<4096xf32, #tpu.memory_space<hbm>>
      %dma_wait3A_53 = arith.constant 4096 : i32
      %dma_wait3A_54 = tpu.memref_slice %arg2[%add3A_16, %dma_wait3A_53] : memref<64x16384xf32, #tpu.memory_space<hbm>> -> memref<1x4096xf32, #tpu.memory_space<hbm>>
      %dma_wait3A_55 = tpu.memref_squeeze %dma_wait3A_54 : memref<1x4096xf32, #tpu.memory_space<hbm>> -> memref<4096xf32, #tpu.memory_space<hbm>>
      tpu.wait_dma2 semaphore(%arg14 : memref<!tpu.dma_semaphore, #tpu.memory_space<semaphore_mem>>) src(%dma_wait3A_55 : memref<4096xf32, #tpu.memory_space<hbm>>) dst(%arg9 : memref<4096xf32, #tpu.memory_space<vmem>>)
      %dma_start3A_56 = arith.constant 8192 : i32
      %dma_start3A_57 = tpu.memref_slice %arg2[%add3A_16, %dma_start3A_56] : memref<64x16384xf32, #tpu.memory_space<hbm>> -> memref<1x4096xf32, #tpu.memory_space<hbm>>
      %dma_start3A_58 = tpu.memref_squeeze %dma_start3A_57 : memref<1x4096xf32, #tpu.memory_space<hbm>> -> memref<4096xf32, #tpu.memory_space<hbm>>
      %dma_start3A_59 = arith.constant 8192 : i32
      %dma_start3A_60 = tpu.memref_slice %arg2[%add3A_16, %dma_start3A_59] : memref<64x16384xf32, #tpu.memory_space<hbm>> -> memref<1x4096xf32, #tpu.memory_space<hbm>>
      %dma_start3A_61 = tpu.memref_squeeze %dma_start3A_60 : memref<1x4096xf32, #tpu.memory_space<hbm>> -> memref<4096xf32, #tpu.memory_space<hbm>>
      tpu.enqueue_dma source(%dma_start3A_61 : memref<4096xf32, #tpu.memory_space<hbm>>) target(%arg8 : memref<4096xf32, #tpu.memory_space<vmem>>) target_semaphore(%arg13 : memref<!tpu.dma_semaphore, #tpu.memory_space<semaphore_mem>>)
      %parallel_loop3A_62 = arith.constant 0 : i32
      %parallel_loop3A_63 = arith.constant 64 : i32
      %parallel_loop3A_64 = arith.constant 1 : i32
      %parallel_loop3A_65:2 = scf.for %parallel_loop3A_92 = %parallel_loop3A_62 to %parallel_loop3A_63 step %parallel_loop3A_64 iter_args(%parallel_loop3A_93 = %parallel_loop3A_49#0, %parallel_loop3A_94 = %parallel_loop3A_49#1) -> (vector<16xf32>, vector<16xf32>)  : i32 {
        %parallel_loop3A_95 = arith.constant 64 : i32
        %parallel_loop3A_96 = arith.muli %parallel_loop3A_92, %parallel_loop3A_95 : i32
        %parallel_loop3A_97 = arith.constant 0 : i32
        %parallel_loop3A_98 = arith.addi %parallel_loop3A_96, %parallel_loop3A_97 : i32
        %parallel_loop3A_99 = arith.constant 4096 : i32
        %parallel_loop3A_100 = arith.addi %parallel_loop3A_99, %parallel_loop3A_98 : i32
        %parallel_loop3A_101 = arith.index_cast %parallel_loop3A_100 : i32 to index
        %parallel_loop3A_102 = tpu.vector_load %arg7[%parallel_loop3A_101] {strides = array<i32>} : memref<16384xi32, #tpu.memory_space<vmem>>, vector<16xi32>,
        %parallel_loop3A_103 = tpu.vector_load_idx %arg6[%parallel_loop3A_102] : memref<100000xf32, #tpu.memory_space<vmem>>[vector<16xi32>], vector<16xf32>,
        %parallel_loop3A_104 = arith.index_cast %parallel_loop3A_98 : i32 to index
        %parallel_loop3A_105 = tpu.vector_load %arg9[%parallel_loop3A_104] {strides = array<i32>} : memref<4096xf32, #tpu.memory_space<vmem>>, vector<16xf32>,
        %parallel_loop3A_106 = arith.subf %parallel_loop3A_105, %parallel_loop3A_103 : vector<16xf32>
        %parallel_loop3A_107 = arith.mulf %parallel_loop3A_106, %parallel_loop3A_106 : vector<16xf32>
        %parallel_loop3A_108 = arith.addf %parallel_loop3A_93, %parallel_loop3A_107 : vector<16xf32>
        %parallel_loop3A_109 = arith.constant 16 : i32
        %parallel_loop3A_110 = arith.addi %parallel_loop3A_96, %parallel_loop3A_109 : i32
        %parallel_loop3A_111 = arith.constant 4096 : i32
        %parallel_loop3A_112 = arith.addi %parallel_loop3A_111, %parallel_loop3A_110 : i32
        %parallel_loop3A_113 = arith.index_cast %parallel_loop3A_112 : i32 to index
        %parallel_loop3A_114 = tpu.vector_load %arg7[%parallel_loop3A_113] {strides = array<i32>} : memref<16384xi32, #tpu.memory_space<vmem>>, vector<16xi32>,
        %parallel_loop3A_115 = tpu.vector_load_idx %arg6[%parallel_loop3A_114] : memref<100000xf32, #tpu.memory_space<vmem>>[vector<16xi32>], vector<16xf32>,
        %parallel_loop3A_116 = arith.index_cast %parallel_loop3A_110 : i32 to index
        %parallel_loop3A_117 = tpu.vector_load %arg9[%parallel_loop3A_116] {strides = array<i32>} : memref<4096xf32, #tpu.memory_space<vmem>>, vector<16xf32>,
        %parallel_loop3A_118 = arith.subf %parallel_loop3A_117, %parallel_loop3A_115 : vector<16xf32>
        %parallel_loop3A_119 = arith.mulf %parallel_loop3A_118, %parallel_loop3A_118 : vector<16xf32>
        %parallel_loop3A_120 = arith.addf %parallel_loop3A_94, %parallel_loop3A_119 : vector<16xf32>
        %parallel_loop3A_121 = arith.constant 32 : i32
        %parallel_loop3A_122 = arith.addi %parallel_loop3A_96, %parallel_loop3A_121 : i32
        %parallel_loop3A_123 = arith.constant 4096 : i32
        %parallel_loop3A_124 = arith.addi %parallel_loop3A_123, %parallel_loop3A_122 : i32
        %parallel_loop3A_125 = arith.index_cast %parallel_loop3A_124 : i32 to index
        %parallel_loop3A_126 = tpu.vector_load %arg7[%parallel_loop3A_125] {strides = array<i32>} : memref<16384xi32, #tpu.memory_space<vmem>>, vector<16xi32>,
        %parallel_loop3A_127 = tpu.vector_load_idx %arg6[%parallel_loop3A_126] : memref<100000xf32, #tpu.memory_space<vmem>>[vector<16xi32>], vector<16xf32>,
        %parallel_loop3A_128 = arith.index_cast %parallel_loop3A_122 : i32 to index
        %parallel_loop3A_129 = tpu.vector_load %arg9[%parallel_loop3A_128] {strides = array<i32>} : memref<4096xf32, #tpu.memory_space<vmem>>, vector<16xf32>,
        %parallel_loop3A_130 = arith.subf %parallel_loop3A_129, %parallel_loop3A_127 : vector<16xf32>
        %parallel_loop3A_131 = arith.mulf %parallel_loop3A_130, %parallel_loop3A_130 : vector<16xf32>
        %parallel_loop3A_132 = arith.addf %parallel_loop3A_108, %parallel_loop3A_131 : vector<16xf32>
        %parallel_loop3A_133 = arith.constant 48 : i32
        %parallel_loop3A_134 = arith.addi %parallel_loop3A_96, %parallel_loop3A_133 : i32
        %parallel_loop3A_135 = arith.constant 4096 : i32
        %parallel_loop3A_136 = arith.addi %parallel_loop3A_135, %parallel_loop3A_134 : i32
        %parallel_loop3A_137 = arith.index_cast %parallel_loop3A_136 : i32 to index
        %parallel_loop3A_138 = tpu.vector_load %arg7[%parallel_loop3A_137] {strides = array<i32>} : memref<16384xi32, #tpu.memory_space<vmem>>, vector<16xi32>,
        %parallel_loop3A_139 = tpu.vector_load_idx %arg6[%parallel_loop3A_138] : memref<100000xf32, #tpu.memory_space<vmem>>[vector<16xi32>], vector<16xf32>,
        %parallel_loop3A_140 = arith.index_cast %parallel_loop3A_134 : i32 to index
        %parallel_loop3A_141 = tpu.vector_load %arg9[%parallel_loop3A_140] {strides = array<i32>} : memref<4096xf32, #tpu.memory_space<vmem>>, vector<16xf32>,
        %parallel_loop3A_142 = arith.subf %parallel_loop3A_141, %parallel_loop3A_139 : vector<16xf32>
        %parallel_loop3A_143 = arith.mulf %parallel_loop3A_142, %parallel_loop3A_142 : vector<16xf32>
        %parallel_loop3A_144 = arith.addf %parallel_loop3A_120, %parallel_loop3A_143 : vector<16xf32>
        scf.yield %parallel_loop3A_132, %parallel_loop3A_144 : vector<16xf32>, vector<16xf32>
      } {sc.loop_unroll_factor = 2 : i64, sc.parallel_access}
      %dma_wait3A_66 = arith.constant 8192 : i32
      %dma_wait3A_67 = tpu.memref_slice %arg2[%add3A_16, %dma_wait3A_66] : memref<64x16384xf32, #tpu.memory_space<hbm>> -> memref<1x4096xf32, #tpu.memory_space<hbm>>
      %dma_wait3A_68 = tpu.memref_squeeze %dma_wait3A_67 : memref<1x4096xf32, #tpu.memory_space<hbm>> -> memref<4096xf32, #tpu.memory_space<hbm>>
      %dma_wait3A_69 = arith.constant 8192 : i32
      %dma_wait3A_70 = tpu.memref_slice %arg2[%add3A_16, %dma_wait3A_69] : memref<64x16384xf32, #tpu.memory_space<hbm>> -> memref<1x4096xf32, #tpu.memory_space<hbm>>
      %dma_wait3A_71 = tpu.memref_squeeze %dma_wait3A_70 : memref<1x4096xf32, #tpu.memory_space<hbm>> -> memref<4096xf32, #tpu.memory_space<hbm>>
      tpu.wait_dma2 semaphore(%arg13 : memref<!tpu.dma_semaphore, #tpu.memory_space<semaphore_mem>>) src(%dma_wait3A_71 : memref<4096xf32, #tpu.memory_space<hbm>>) dst(%arg8 : memref<4096xf32, #tpu.memory_space<vmem>>)
      %dma_start3A_72 = arith.constant 12288 : i32
      %dma_start3A_73 = tpu.memref_slice %arg2[%add3A_16, %dma_start3A_72] : memref<64x16384xf32, #tpu.memory_space<hbm>> -> memref<1x4096xf32, #tpu.memory_space<hbm>>
      %dma_start3A_74 = tpu.memref_squeeze %dma_start3A_73 : memref<1x4096xf32, #tpu.memory_space<hbm>> -> memref<4096xf32, #tpu.memory_space<hbm>>
      %dma_start3A_75 = arith.constant 12288 : i32
      %dma_start3A_76 = tpu.memref_slice %arg2[%add3A_16, %dma_start3A_75] : memref<64x16384xf32, #tpu.memory_space<hbm>> -> memref<1x4096xf32, #tpu.memory_space<hbm>>
      %dma_start3A_77 = tpu.memref_squeeze %dma_start3A_76 : memref<1x4096xf32, #tpu.memory_space<hbm>> -> memref<4096xf32, #tpu.memory_space<hbm>>
      tpu.enqueue_dma source(%dma_start3A_77 : memref<4096xf32, #tpu.memory_space<hbm>>) target(%arg9 : memref<4096xf32, #tpu.memory_space<vmem>>) target_semaphore(%arg14 : memref<!tpu.dma_semaphore, #tpu.memory_space<semaphore_mem>>)
      %parallel_loop3A_78 = arith.constant 0 : i32
      %parallel_loop3A_79 = arith.constant 64 : i32
      %parallel_loop3A_80 = arith.constant 1 : i32
      %parallel_loop3A_81:2 = scf.for %parallel_loop3A_92 = %parallel_loop3A_78 to %parallel_loop3A_79 step %parallel_loop3A_80 iter_args(%parallel_loop3A_93 = %parallel_loop3A_65#0, %parallel_loop3A_94 = %parallel_loop3A_65#1) -> (vector<16xf32>, vector<16xf32>)  : i32 {
        %parallel_loop3A_95 = arith.constant 64 : i32
        %parallel_loop3A_96 = arith.muli %parallel_loop3A_92, %parallel_loop3A_95 : i32
        %parallel_loop3A_97 = arith.constant 0 : i32
        %parallel_loop3A_98 = arith.addi %parallel_loop3A_96, %parallel_loop3A_97 : i32
        %parallel_loop3A_99 = arith.constant 8192 : i32
        %parallel_loop3A_100 = arith.addi %parallel_loop3A_99, %parallel_loop3A_98 : i32
        %parallel_loop3A_101 = arith.index_cast %parallel_loop3A_100 : i32 to index
        %parallel_loop3A_102 = tpu.vector_load %arg7[%parallel_loop3A_101] {strides = array<i32>} : memref<16384xi32, #tpu.memory_space<vmem>>, vector<16xi32>,
        %parallel_loop3A_103 = tpu.vector_load_idx %arg6[%parallel_loop3A_102] : memref<100000xf32, #tpu.memory_space<vmem>>[vector<16xi32>], vector<16xf32>,
        %parallel_loop3A_104 = arith.index_cast %parallel_loop3A_98 : i32 to index
        %parallel_loop3A_105 = tpu.vector_load %arg8[%parallel_loop3A_104] {strides = array<i32>} : memref<4096xf32, #tpu.memory_space<vmem>>, vector<16xf32>,
        %parallel_loop3A_106 = arith.subf %parallel_loop3A_105, %parallel_loop3A_103 : vector<16xf32>
        %parallel_loop3A_107 = arith.mulf %parallel_loop3A_106, %parallel_loop3A_106 : vector<16xf32>
        %parallel_loop3A_108 = arith.addf %parallel_loop3A_93, %parallel_loop3A_107 : vector<16xf32>
        %parallel_loop3A_109 = arith.constant 16 : i32
        %parallel_loop3A_110 = arith.addi %parallel_loop3A_96, %parallel_loop3A_109 : i32
        %parallel_loop3A_111 = arith.constant 8192 : i32
        %parallel_loop3A_112 = arith.addi %parallel_loop3A_111, %parallel_loop3A_110 : i32
        %parallel_loop3A_113 = arith.index_cast %parallel_loop3A_112 : i32 to index
        %parallel_loop3A_114 = tpu.vector_load %arg7[%parallel_loop3A_113] {strides = array<i32>} : memref<16384xi32, #tpu.memory_space<vmem>>, vector<16xi32>,
        %parallel_loop3A_115 = tpu.vector_load_idx %arg6[%parallel_loop3A_114] : memref<100000xf32, #tpu.memory_space<vmem>>[vector<16xi32>], vector<16xf32>,
        %parallel_loop3A_116 = arith.index_cast %parallel_loop3A_110 : i32 to index
        %parallel_loop3A_117 = tpu.vector_load %arg8[%parallel_loop3A_116] {strides = array<i32>} : memref<4096xf32, #tpu.memory_space<vmem>>, vector<16xf32>,
        %parallel_loop3A_118 = arith.subf %parallel_loop3A_117, %parallel_loop3A_115 : vector<16xf32>
        %parallel_loop3A_119 = arith.mulf %parallel_loop3A_118, %parallel_loop3A_118 : vector<16xf32>
        %parallel_loop3A_120 = arith.addf %parallel_loop3A_94, %parallel_loop3A_119 : vector<16xf32>
        %parallel_loop3A_121 = arith.constant 32 : i32
        %parallel_loop3A_122 = arith.addi %parallel_loop3A_96, %parallel_loop3A_121 : i32
        %parallel_loop3A_123 = arith.constant 8192 : i32
        %parallel_loop3A_124 = arith.addi %parallel_loop3A_123, %parallel_loop3A_122 : i32
        %parallel_loop3A_125 = arith.index_cast %parallel_loop3A_124 : i32 to index
        %parallel_loop3A_126 = tpu.vector_load %arg7[%parallel_loop3A_125] {strides = array<i32>} : memref<16384xi32, #tpu.memory_space<vmem>>, vector<16xi32>,
        %parallel_loop3A_127 = tpu.vector_load_idx %arg6[%parallel_loop3A_126] : memref<100000xf32, #tpu.memory_space<vmem>>[vector<16xi32>], vector<16xf32>,
        %parallel_loop3A_128 = arith.index_cast %parallel_loop3A_122 : i32 to index
        %parallel_loop3A_129 = tpu.vector_load %arg8[%parallel_loop3A_128] {strides = array<i32>} : memref<4096xf32, #tpu.memory_space<vmem>>, vector<16xf32>,
        %parallel_loop3A_130 = arith.subf %parallel_loop3A_129, %parallel_loop3A_127 : vector<16xf32>
        %parallel_loop3A_131 = arith.mulf %parallel_loop3A_130, %parallel_loop3A_130 : vector<16xf32>
        %parallel_loop3A_132 = arith.addf %parallel_loop3A_108, %parallel_loop3A_131 : vector<16xf32>
        %parallel_loop3A_133 = arith.constant 48 : i32
        %parallel_loop3A_134 = arith.addi %parallel_loop3A_96, %parallel_loop3A_133 : i32
        %parallel_loop3A_135 = arith.constant 8192 : i32
        %parallel_loop3A_136 = arith.addi %parallel_loop3A_135, %parallel_loop3A_134 : i32
        %parallel_loop3A_137 = arith.index_cast %parallel_loop3A_136 : i32 to index
        %parallel_loop3A_138 = tpu.vector_load %arg7[%parallel_loop3A_137] {strides = array<i32>} : memref<16384xi32, #tpu.memory_space<vmem>>, vector<16xi32>,
        %parallel_loop3A_139 = tpu.vector_load_idx %arg6[%parallel_loop3A_138] : memref<100000xf32, #tpu.memory_space<vmem>>[vector<16xi32>], vector<16xf32>,
        %parallel_loop3A_140 = arith.index_cast %parallel_loop3A_134 : i32 to index
        %parallel_loop3A_141 = tpu.vector_load %arg8[%parallel_loop3A_140] {strides = array<i32>} : memref<4096xf32, #tpu.memory_space<vmem>>, vector<16xf32>,
        %parallel_loop3A_142 = arith.subf %parallel_loop3A_141, %parallel_loop3A_139 : vector<16xf32>
        %parallel_loop3A_143 = arith.mulf %parallel_loop3A_142, %parallel_loop3A_142 : vector<16xf32>
        %parallel_loop3A_144 = arith.addf %parallel_loop3A_120, %parallel_loop3A_143 : vector<16xf32>
        scf.yield %parallel_loop3A_132, %parallel_loop3A_144 : vector<16xf32>, vector<16xf32>
      } {sc.loop_unroll_factor = 2 : i64, sc.parallel_access}
      %dma_wait3A_82 = arith.constant 12288 : i32
      %dma_wait3A_83 = tpu.memref_slice %arg2[%add3A_16, %dma_wait3A_82] : memref<64x16384xf32, #tpu.memory_space<hbm>> -> memref<1x4096xf32, #tpu.memory_space<hbm>>
      %dma_wait3A_84 = tpu.memref_squeeze %dma_wait3A_83 : memref<1x4096xf32, #tpu.memory_space<hbm>> -> memref<4096xf32, #tpu.memory_space<hbm>>
      %dma_wait3A_85 = arith.constant 12288 : i32
      %dma_wait3A_86 = tpu.memref_slice %arg2[%add3A_16, %dma_wait3A_85] : memref<64x16384xf32, #tpu.memory_space<hbm>> -> memref<1x4096xf32, #tpu.memory_space<hbm>>
      %dma_wait3A_87 = tpu.memref_squeeze %dma_wait3A_86 : memref<1x4096xf32, #tpu.memory_space<hbm>> -> memref<4096xf32, #tpu.memory_space<hbm>>
      tpu.wait_dma2 semaphore(%arg14 : memref<!tpu.dma_semaphore, #tpu.memory_space<semaphore_mem>>) src(%dma_wait3A_87 : memref<4096xf32, #tpu.memory_space<hbm>>) dst(%arg9 : memref<4096xf32, #tpu.memory_space<vmem>>)
      %parallel_loop3A_88 = arith.constant 0 : i32
      %parallel_loop3A_89 = arith.constant 64 : i32
      %parallel_loop3A_90 = arith.constant 1 : i32
      %parallel_loop3A_91:2 = scf.for %parallel_loop3A_92 = %parallel_loop3A_88 to %parallel_loop3A_89 step %parallel_loop3A_90 iter_args(%parallel_loop3A_93 = %parallel_loop3A_81#0, %parallel_loop3A_94 = %parallel_loop3A_81#1) -> (vector<16xf32>, vector<16xf32>)  : i32 {
        %parallel_loop3A_95 = arith.constant 64 : i32
        %parallel_loop3A_96 = arith.muli %parallel_loop3A_92, %parallel_loop3A_95 : i32
        %parallel_loop3A_97 = arith.constant 0 : i32
        %parallel_loop3A_98 = arith.addi %parallel_loop3A_96, %parallel_loop3A_97 : i32
        %parallel_loop3A_99 = arith.constant 12288 : i32
        %parallel_loop3A_100 = arith.addi %parallel_loop3A_99, %parallel_loop3A_98 : i32
        %parallel_loop3A_101 = arith.index_cast %parallel_loop3A_100 : i32 to index
        %parallel_loop3A_102 = tpu.vector_load %arg7[%parallel_loop3A_101] {strides = array<i32>} : memref<16384xi32, #tpu.memory_space<vmem>>, vector<16xi32>,
        %parallel_loop3A_103 = tpu.vector_load_idx %arg6[%parallel_loop3A_102] : memref<100000xf32, #tpu.memory_space<vmem>>[vector<16xi32>], vector<16xf32>,
        %parallel_loop3A_104 = arith.index_cast %parallel_loop3A_98 : i32 to index
        %parallel_loop3A_105 = tpu.vector_load %arg9[%parallel_loop3A_104] {strides = array<i32>} : memref<4096xf32, #tpu.memory_space<vmem>>, vector<16xf32>,
        %parallel_loop3A_106 = arith.subf %parallel_loop3A_105, %parallel_loop3A_103 : vector<16xf32>
        %parallel_loop3A_107 = arith.mulf %parallel_loop3A_106, %parallel_loop3A_106 : vector<16xf32>
        %parallel_loop3A_108 = arith.addf %parallel_loop3A_93, %parallel_loop3A_107 : vector<16xf32>
        %parallel_loop3A_109 = arith.constant 16 : i32
        %parallel_loop3A_110 = arith.addi %parallel_loop3A_96, %parallel_loop3A_109 : i32
        %parallel_loop3A_111 = arith.constant 12288 : i32
        %parallel_loop3A_112 = arith.addi %parallel_loop3A_111, %parallel_loop3A_110 : i32
        %parallel_loop3A_113 = arith.index_cast %parallel_loop3A_112 : i32 to index
        %parallel_loop3A_114 = tpu.vector_load %arg7[%parallel_loop3A_113] {strides = array<i32>} : memref<16384xi32, #tpu.memory_space<vmem>>, vector<16xi32>,
        %parallel_loop3A_115 = tpu.vector_load_idx %arg6[%parallel_loop3A_114] : memref<100000xf32, #tpu.memory_space<vmem>>[vector<16xi32>], vector<16xf32>,
        %parallel_loop3A_116 = arith.index_cast %parallel_loop3A_110 : i32 to index
        %parallel_loop3A_117 = tpu.vector_load %arg9[%parallel_loop3A_116] {strides = array<i32>} : memref<4096xf32, #tpu.memory_space<vmem>>, vector<16xf32>,
        %parallel_loop3A_118 = arith.subf %parallel_loop3A_117, %parallel_loop3A_115 : vector<16xf32>
        %parallel_loop3A_119 = arith.mulf %parallel_loop3A_118, %parallel_loop3A_118 : vector<16xf32>
        %parallel_loop3A_120 = arith.addf %parallel_loop3A_94, %parallel_loop3A_119 : vector<16xf32>
        %parallel_loop3A_121 = arith.constant 32 : i32
        %parallel_loop3A_122 = arith.addi %parallel_loop3A_96, %parallel_loop3A_121 : i32
        %parallel_loop3A_123 = arith.constant 12288 : i32
        %parallel_loop3A_124 = arith.addi %parallel_loop3A_123, %parallel_loop3A_122 : i32
        %parallel_loop3A_125 = arith.index_cast %parallel_loop3A_124 : i32 to index
        %parallel_loop3A_126 = tpu.vector_load %arg7[%parallel_loop3A_125] {strides = array<i32>} : memref<16384xi32, #tpu.memory_space<vmem>>, vector<16xi32>,
        %parallel_loop3A_127 = tpu.vector_load_idx %arg6[%parallel_loop3A_126] : memref<100000xf32, #tpu.memory_space<vmem>>[vector<16xi32>], vector<16xf32>,
        %parallel_loop3A_128 = arith.index_cast %parallel_loop3A_122 : i32 to index
        %parallel_loop3A_129 = tpu.vector_load %arg9[%parallel_loop3A_128] {strides = array<i32>} : memref<4096xf32, #tpu.memory_space<vmem>>, vector<16xf32>,
        %parallel_loop3A_130 = arith.subf %parallel_loop3A_129, %parallel_loop3A_127 : vector<16xf32>
        %parallel_loop3A_131 = arith.mulf %parallel_loop3A_130, %parallel_loop3A_130 : vector<16xf32>
        %parallel_loop3A_132 = arith.addf %parallel_loop3A_108, %parallel_loop3A_131 : vector<16xf32>
        %parallel_loop3A_133 = arith.constant 48 : i32
        %parallel_loop3A_134 = arith.addi %parallel_loop3A_96, %parallel_loop3A_133 : i32
        %parallel_loop3A_135 = arith.constant 12288 : i32
        %parallel_loop3A_136 = arith.addi %parallel_loop3A_135, %parallel_loop3A_134 : i32
        %parallel_loop3A_137 = arith.index_cast %parallel_loop3A_136 : i32 to index
        %parallel_loop3A_138 = tpu.vector_load %arg7[%parallel_loop3A_137] {strides = array<i32>} : memref<16384xi32, #tpu.memory_space<vmem>>, vector<16xi32>,
        %parallel_loop3A_139 = tpu.vector_load_idx %arg6[%parallel_loop3A_138] : memref<100000xf32, #tpu.memory_space<vmem>>[vector<16xi32>], vector<16xf32>,
        %parallel_loop3A_140 = arith.index_cast %parallel_loop3A_134 : i32 to index
        %parallel_loop3A_141 = tpu.vector_load %arg9[%parallel_loop3A_140] {strides = array<i32>} : memref<4096xf32, #tpu.memory_space<vmem>>, vector<16xf32>,
        %parallel_loop3A_142 = arith.subf %parallel_loop3A_141, %parallel_loop3A_139 : vector<16xf32>
        %parallel_loop3A_143 = arith.mulf %parallel_loop3A_142, %parallel_loop3A_142 : vector<16xf32>
        %parallel_loop3A_144 = arith.addf %parallel_loop3A_120, %parallel_loop3A_143 : vector<16xf32>
        scf.yield %parallel_loop3A_132, %parallel_loop3A_144 : vector<16xf32>, vector<16xf32>
      } {sc.loop_unroll_factor = 2 : i64, sc.parallel_access}
      scf.yield %parallel_loop3A_91#0, %parallel_loop3A_91#1 : vector<16xf32>, vector<16xf32>
    }
    %scan3A_6 = arith.constant 2 : i32
    %add3A_7 = arith.addf %scan3A_5#0, %scan3A_5#1 : vector<16xf32>
    %swap3A = arith.constant 0 : index
    %swap3A_8 = tpu.vector_load %arg10[%swap3A] {strides = array<i32>} : memref<16xf32, #tpu.memory_space<vmem>>, vector<16xf32>,
    tpu.vector_store %arg10[%swap3A], %add3A_7 {strides = array<i32>} : memref<16xf32, #tpu.memory_space<vmem>>, vector<16xf32>,
    %mul3A_9 = arith.constant 16 : i32
    %mul3A_10 = arith.muli %add3A, %mul3A_9 : i32
    "tpu.region"() ({
      %run_scoped3A = tpu.sem_alloc : memref<!tpu.dma_semaphore, #tpu.memory_space<semaphore_mem>>
      %dma_start3A = tpu.memref_slice %arg5[%mul3A_10] : memref<512xf32, #tpu.memory_space<hbm>> -> memref<16xf32, #tpu.memory_space<hbm>>
      %dma_start3A_11 = tpu.memref_slice %arg5[%mul3A_10] : memref<512xf32, #tpu.memory_space<hbm>> -> memref<16xf32, #tpu.memory_space<hbm>>
      tpu.enqueue_dma source(%arg10 : memref<16xf32, #tpu.memory_space<vmem>>) target(%dma_start3A_11 : memref<16xf32, #tpu.memory_space<hbm>>) target_semaphore(%run_scoped3A : memref<!tpu.dma_semaphore, #tpu.memory_space<semaphore_mem>>)
      %dma_wait3A = tpu.memref_slice %arg5[%mul3A_10] : memref<512xf32, #tpu.memory_space<hbm>> -> memref<16xf32, #tpu.memory_space<hbm>>
      %dma_wait3A_12 = tpu.memref_slice %arg5[%mul3A_10] : memref<512xf32, #tpu.memory_space<hbm>> -> memref<16xf32, #tpu.memory_space<hbm>>
      tpu.wait_dma2 semaphore(%run_scoped3A : memref<!tpu.dma_semaphore, #tpu.memory_space<semaphore_mem>>) src(%arg10 : memref<16xf32, #tpu.memory_space<vmem>>) dst(%dma_wait3A_12 : memref<16xf32, #tpu.memory_space<hbm>>)
      tpu.yield
    }) : () -> ()
    return
  }
}

</mosaic_0001>

<sc_bundles>
// kernel: _center_loss.3.cloned.1.call-start
scs
__scs_entry_jumppad:
0x0: {  	(pc) =	sbr.rel $0x88, $3  }
0x1: {  	(tag) =	ssettag $0x0;
	lr =	simm.s32 $0x1  }
0x2: {  	[smem:$0x3F9E] =	sst lr;
	_ =	strace $0xD0000000  }
0x3: {  	_ = 	snop  }
0x4: {  	_ = 	snop  }
0x5: {  	_ = 	snop  }
0x6: {  	_ = 	snop  }
0x7: {  	_ = 	snop  }
__scs_overlays_trampoline_lowered:
0x8: {  	[smem:$0x3FAD] =	sst s0  }
0x9: {  	[smem:$0x3FAE] =	sst s1  }
0xa: {  	[smem:$0x3FAF] =	sst s2  }
0xb: {  	[smem:$0x3FB0] =	sst s3  }
0xc: {  	[smem:$0x3FB1] =	sst s4  }
0xd: {  	[smem:$0x3FB2] =	sst s5  }
0xe: {  	[smem:$0x3FB3] =	sst s6  }
0xf: {  	[smem:$0x3FB4] =	sst s7  }
0x10: {  	[smem:$0x3FB5] =	sst s8  }
0x11: {  	[smem:$0x3FB6] =	sst s9;
	s0 =	simm.s32 @!p0 $0x0  }
0x12: {  	s1 =	sld [smem:$0x3F9C];
	s0 =	simm.s32 @p0 $0x1  }
0x13: {  	[smem:$0x3FB7] =	sst s0;
	s0 =	simm.s32 @!p1 $0x0  }
0x14: {  	s2 =	sld [smem:$0x3F9B];
	s0 =	simm.s32 @p1 $0x1  }
0x15: {  	[smem:$0x3FB8] =	sst s0;
	s0 =	simm.s32 @!p2 $0x0  }
0x16: {  	s3 =	sld [smem:$0x3FDB];
	s0 =	simm.s32 @p2 $0x1  }
0x17: {  	s4 =	simm.s32 $0x1BF5;
	[smem:$0x3FBA] =	sst s0  }
0x18: {  	s0 =	sld [smem:$0x3F9D];
	_ =	swait.ge [sflag:s4], $0x0  }
0x19: {  	s7 =	sld [smem:$0x3F9E]  }
0x1a: {  	s8 =	sadd.s32 $0xFFFFE003, lr  }
0x1b: {  	s9 =	sadd.s32 $0xFFFFFEF7, lr;
	s5 =	simm.s32 $0xFFFFFFFF;
	p2 =	slt.u32 s8, $0xFFFFF086  }
0x1c: {  	p1 =	slt.u32 s9, $0xF7A;
	s5 =	simm.s32 @!p2 $0x0  }
0x1d: {  	s5 =	simm.s32 @p1 $0x1;
	p0 =	seq.s32 s7, s2  }
0x1e: {  	s7 =	smul.u32 @!p0 $0xF7A, s2;
	p2 =	seq.s32 @!p0 s5, $0x0  }
0x1f: {  	s9 =	smul.u32 $0xF7A, s1;
	s8 =	simm.s32 @!p0 $0x1BF5;
	p2 =	por !p2, p0  }
0x20: {  	[sflag:s8] =	ssyncset.s32 @!p0 $0xFFFFF086;
	s6 =	sadd.s32 @!p0 s3, s7;
	s7 =	simm.s32 @!p0 $0x108  }
0x21: {  	s3 =	sadd.s32 s3, s9;
	s6 =	sadd.s32 @!p0 $0x88, s6;
	s7 =	simm.s32 @p2 $0x1082  }
0x22: {  	[simem:s7], [sflag:s8] =	dma.local @!p0 [hbm:s6], $0xF7A  }
0x23: {  	s9 =	sor.u32 $0xD0000000, s2;
	s6 =	simm.s32 $0x108;
	_ =	swait.ge @!p0 [sflag:s8], $0x0  }
0x24: {  	s3 =	sadd.s32 $0x88, s3;
	s6 =	simm.s32 @!p1 $0x1082;
	[sflag:s4] =	ssyncset.s32 $0xFFFFF086  }
0x25: {  	[simem:s6], [sflag:s4] =	dma.local [hbm:s3], $0xF7A  }
0x26: {  	[smem:$0x3F9E] =	sst s1;
	(tag) =	ssettag s2;
	_ =	strace s9  }
0x27: {  	s1 =	sld [smem:$0x3FAE]  }
0x28: {  	s2 =	sld [smem:$0x3FAF]  }
0x29: {  	s4 =	sld [smem:$0x3FB1]  }
0x2a: {  	p0 =	seq.s32 s5, $0x0;
	s5 =	sld [smem:$0x3FB2]  }
0x2b: {  	s6 =	sld [smem:$0x3FB3]  }
0x2c: {  	s7 =	sld [smem:$0x3FB4]  }
0x2d: {  	s3 =	simm.s32 $0x108;
	s8 =	sld [smem:$0x3FB5]  }
0x2e: {  	s3 =	simm.s32 @!p0 $0x1082;
	s9 =	sld [smem:$0x3FB6]  }
0x2f: {  	lr =	sadd.s32 s0, s3;
	s0 =	sld [smem:$0x3FAD]  }
0x30: {  	s3 =	sld [smem:$0x3FB0]  }
0x31: {  	[smem:$0x3FB9] =	sst s10  }
0x32: {  	s10 =	sld [smem:$0x3FB7];
	_ =	sdelay $0x3  }
0x33: {  	p0 =	seq.s32 s10, $0x1;
	s10 =	sld [smem:$0x3FB9];
	_ =	sdelay $0x3  }
0x34: {  	[smem:$0x3FB9] =	sst s10  }
0x35: {  	s10 =	sld [smem:$0x3FB8];
	_ =	sdelay $0x3  }
0x36: {  	p1 =	seq.s32 s10, $0x1;
	s10 =	sld [smem:$0x3FB9];
	_ =	sdelay $0x3  }
0x37: {  	[smem:$0x3FB9] =	sst s10  }
0x38: {  	s10 =	sld [smem:$0x3FBA]  }
0x39: {  	_ = 	snop;
	(pc) =	sbr.ind lr, $3  }
0x3a: {  	_ = 	snop  }
0x3b: {  	_ = 	snop  }
0x3c: {  	p2 =	seq.s32 s10, $0x1;
	s10 =	sld [smem:$0x3FB9]  }
0x3d: {  	_ =	shalt  }
0x3e: {  	_ =	shalt  }
0x3f: {  	_ =	shalt  }
0x40: {  	_ =	shalt  }
0x41: {  	_ =	shalt  }
0x42: {  	_ =	shalt  }
0x43: {  	_ =	shalt  }
0x44: {  	_ =	shalt  }
0x45: {  	_ =	shalt  }
0x46: {  	_ =	shalt  }
0x47: {  	_ =	shalt  }
0x48: {  	_ =	shalt  }
0x49: {  	_ =	shalt  }
0x4a: {  	_ =	shalt  }
0x4b: {  	_ =	shalt  }
0x4c: {  	_ =	shalt  }
0x4d: {  	_ =	shalt  }
0x4e: {  	_ =	shalt  }
0x4f: {  	_ =	shalt  }
0x50: {  	_ =	shalt  }
0x51: {  	_ =	shalt  }
0x52: {  	_ =	shalt  }
0x53: {  	_ =	shalt  }
0x54: {  	_ =	shalt  }
0x55: {  	_ =	shalt  }
0x56: {  	_ =	shalt  }
0x57: {  	_ =	shalt  }
0x58: {  	_ =	shalt  }
0x59: {  	_ =	shalt  }
0x5a: {  	_ =	shalt  }
0x5b: {  	_ =	shalt  }
0x5c: {  	_ =	shalt  }
0x5d: {  	_ =	shalt  }
0x5e: {  	_ =	shalt  }
0x5f: {  	_ =	shalt  }
0x60: {  	_ =	shalt  }
0x61: {  	_ =	shalt  }
0x62: {  	_ =	shalt  }
0x63: {  	_ =	shalt  }
0x64: {  	_ =	shalt  }
0x65: {  	_ =	shalt  }
0x66: {  	_ =	shalt  }
0x67: {  	_ =	shalt  }
0x68: {  	_ =	shalt  }
0x69: {  	_ =	shalt  }
0x6a: {  	_ =	shalt  }
0x6b: {  	_ =	shalt  }
0x6c: {  	_ =	shalt  }
0x6d: {  	_ =	shalt  }
0x6e: {  	_ =	shalt  }
0x6f: {  	_ =	shalt  }
0x70: {  	_ =	shalt  }
0x71: {  	_ =	shalt  }
0x72: {  	_ =	shalt  }
0x73: {  	_ =	shalt  }
0x74: {  	_ =	shalt  }
0x75: {  	_ =	shalt  }
0x76: {  	_ =	shalt  }
0x77: {  	_ =	shalt  }
0x78: {  	_ =	shalt  }
0x79: {  	_ =	shalt  }
0x7a: {  	_ =	shalt  }
0x7b: {  	_ =	shalt  }
0x7c: {  	_ =	shalt  }
0x7d: {  	_ =	shalt  }
0x7e: {  	_ =	shalt  }
0x7f: {  	_ =	shalt  }
0x80: {  	_ =	shalt  }
0x81: {  	_ =	shalt  }
0x82: {  	_ =	shalt  }
0x83: {  	_ =	shalt  }
0x84: {  	_ =	shalt  }
0x85: {  	_ =	shalt  }
0x86: {  	_ =	shalt  }
0x87: {  	_ =	shalt  }
.Lfunc_end0:
.L_simem_size_0:
called_computation_lowered:
.L_overlay_start_0:
0x88: {  	s2 =	sld [smem:$0x3FD9]  }
0x89: {  	s3 =	sld [smem:$0x3FFE];
	_ =	sdelay $0x1  }
0x8a: {  	s1 =	srdreg.scid  }
0x8b: {  	s0 =	sand.u32 $0x1, s1  }
0x8c: {  	s17 =	sshll.u32 s0, $0xA;
	s2 =	sadd.s32 s3, s2  }
0x8d: {  	s2 =	sadd.s32 s2, s17  }
0x8e: {  	[smem:$0x3FC5] =	sst s2  }
0x8f: {  	_ = 	snop  }
0x90: {  	s2 =	sld [smem:$0x3FC9]  }
0x91: {  	s18 =	sld [smem:$0x3FC8]  }
0x92: {  	s4 =	sld [smem:$0x3FC7];
	(tm) =	ssettm $0x1  }
0x93: {  	s5 =	sld [smem:$0x3FFB];
	_ =	sdelay $0x3  }
0x94: {  	_ =	strace s5  }
0x95: {  	s5 =	sld [smem:$0x3FFC];
	_ =	sdelay $0x3  }
0x96: {  	_ =	strace s5  }
0x97: {  	s5 =	sld [smem:$0x3FFD];
	_ =	sdelay $0x3  }
0x98: {  	_ =	strace s5  }
0x99: {  	_ =	strace $0x8FFFFFFF  }
0x9a: {  	s19 =	sld [smem:$0x3FDB];
	_ =	sdelay $0x1  }
0x9b: {  	s6 =	simm.s32 $_scs_section_size  }
0x9c: {  	s7 =	simm.s32 $_size__tile_overlayer_lowered;
	s8 =	simm.s32 $_tile_overlayer_lowered  }
0x9d: {  	s22 =	simm.s32 $0x1BFF;
	s21 =	sshll.u32 s8, $0x1;
	s5 =	sadd.s32 s6, s19  }
0x9e: {  	s9 =	simm.s32 $0x0;
	s20 =	sshll.u32 s7, $0x1;
	s7 =	sadd.s32 s21, s5  }
0x9f: {  	[timem:s9], [sflag:s22] =	dma.local [hbm:s7], s20  }
0xa0: {  	_ =	swait.ge [sflag:s22], s20  }
0xa1: {  	s6 =	ssub.s32 $0x0, s20;
	[sflag:s22] =	ssyncset.done $0x0  }
0xa2: {  	[sflag:s22] =	ssyncadd.s32 s6;
	_ =	sdelay $0x1  }
0xa3: {  	s23 =	simm.s32 $0x1B8B  }
0xa4: {  	_ =	swait.ge [sflag:s23], $0x1  }
0xa5: {  	[sflag:s23] =	ssyncset.done $0x0  }
0xa6: {  	s25 =	simm.s32 $0x1B8E;
	s24 =	sld [smem:$0x3FFE];
	[sflag:s23] =	ssyncadd.s32 $0xFFFFFFFF  }
0xa7: {  	s26 =	simm.s32 $execute0_lowered;
	[smem:$0x3FD2] =	sst s25  }
0xa8: {  	s7 =	sshll.u32 s26, $0x1;
	_ =	strace $0x80000046;
	[dreg:$0x1] =	wrdreg $0xFFFFFFFF  }
0xa9: {  	s28 =	simm.s32 $_size_execute0_lowered;
	s5 =	sadd.s32 s5, s7;
	[dreg:$0x0] =	wrdreg $0x0  }
0xaa: {  	s7 =	sshll.u32 s28, $0x1;
	[dreg:$0x2] =	wrdreg s5  }
0xab: {  	[dreg:$0x3] =	wrdreg s7  }
0xac: {  	[dreg:$0x4] =	wrdreg $0xC0  }
0xad: {  	_ =	task [dreg:s9], $0x5FFFF  }
0xae: {  	[dreg:$0x1] =	wrdreg $0xFFFFFFFF  }
0xaf: {  	[dreg:$0x0] =	wrdreg $0x60  }
0xb0: {  	[dreg:$0x2] =	wrdreg s2  }
0xb1: {  	[dreg:$0x3] =	wrdreg s18  }
0xb2: {  	[dreg:$0x4] =	wrdreg s4  }
0xb3: {  	[dreg:$0x5] =	wrdreg s24  }
0xb4: {  	[dreg:$0x6] =	wrdreg $0x9  }
0xb5: {  	_ =	task.clear_ibuf [dreg:s9], $0x7FFFF;
	_ =	strace $0x90000046  }
0xb6: {  	s29 =	simm.s32 $0x9;
	_ =	strace $0x80000048  }
0xb7: {  	_ =	swait.ge [sflag:s29], $0x1  }
0xb8: {  	[sflag:s29] =	ssyncadd.s32 $0xFFFFFFFF  }
0xb9: {  	_ =	strace $0x90000048  }
0xba: {  	_ =	sfence  }
0xbb: {  	s30 =	sld [smem:$0x0];
	_ =	sdelay $0x2  }
0xbc: {  	s31 =	sshll.u32 s1, $0xD;
	s1 =	sshrl.u32 s1, $0x2  }
0xbd: {  	s3 =	sand.u32 $0x4000, s31;
	s1 =	sadd.s32 s1, s30  }
0xbe: {  	s0 =	sor.u32 s3, s0;
	s1 =	sshll.u32 s1, $0x11  }
0xbf: {  	s0 =	sor.u32 s1, s0  }
0xc0: {  	s0 =	sadd.s32 $0x8F2B, s0  }
0xc1: {  	[sflag:s0] =	ssyncadd.remote.s32 $0x1  }
0xc2: {  	_ =	sfence.sel $0xFFFF  }
0xc3: {  	[dreg:$0x0] =	wrdreg $0xFFFFFFFF;
	(pc) =	sbr.abs _section_cstart, $3  }
0xc4: {  	[dreg:$0x1] =	wrdreg $0xFFFFFFFF  }
0xc5: {  	_ =	task.clear_ibuf [dreg:s9], $0x2FFFF;
	_ =	strace $0x9FFFFFFF  }
0xc6: {  	(tm) =	ssettm $0x7FFFFFFF  }
0xc7: {  	_ =	shalt  }
tec
execute0_lowered:
.L_overlay_start_1:
0x0: {  	(tag) =	ssettag $0x1  }
0x1: {  	s1 =	rddreg [dreg:$0x0]  }
0x2: {  	s2 =	rddreg [dreg:$0x1]  }
0x3: {  	s3 =	rddreg [dreg:$0x2]  }
0x4: {  	s12 =	rddreg [dreg:$0x3]  }
0x5: {  	s0 =	rddreg [dreg:$0x4]  }
0x6: {  	s5 =	simm.s32 $0x0;
	s6 =	srdreg.scid;
	s4 =	stileid.u32  }
0x7: {  	s15 =	simm.s32 $0x80;
	s16 =	simm.s32 $0x400;
	s17 =	simm.s32 $0x1C700  }
0x8: {  	s18 =	simm.s32 $0x1;
	s19 =	simm.s32 $0x3;
	s20 =	simm.s32 $0x1D700  }
0x9: {  	s21 =	simm.s32 $0x4;
	s22 =	simm.s32 $0x1E700;
	s23 =	simm.s32 $0x5  }
0xa: {  	s24 =	simm.s32 $0x0;
	[smem:$0x7FF] =	sst s5;
	s6 =	sand.u32 $0x1, s6  }
0xb: {  	s7 =	sshll.u32 s4, $0x1;
	s9 =	sshrl.u32 s4, $0x1;
	s11 =	sadd.s32 $0x3000, s1  }
0xc: {  	_ =	strace $0x80000047;
	s8 =	ssub.s32 $0x2, s6;
	s10 =	sor.u32 s6, s7  }
0xd: {  	s31 =	sshrl.u32 s8, $0x1;
	s7 =	sshll.u32 s10, $0x8;
	s14 =	sshll.u32 s10, $0x1  }
0xe: {  	s10 =	sadd.s32 $0x2000, s1;
	s13 =	ssub.s32 s8, s31;
	s6 =	sand.u32 $0x300, s7  }
0xf: {  	s7 =	smul.u32 $0xC3800, s9;
	s8 =	sshll.u32 s9, $0x11;
	s9 =	sadd.s32 $0x1000, s1  }
0x10: {  	s12 =	sadd.s32 s12, s14;
	s14 =	simm.s32 $0x18700;
	s13 =	smax.u32 s13, $0x1  }
.LBB2_1:
0x11: {  	[tilespmem:s14], [sflag:$0x2] =	stream.linear.gather [hbm4b:s2+s5], $0x4000, $0x38;
	[tilespmem:$0x1E780] =	vst v63  }
0x12: {  	p1 =	por $0x1, $0x1;
	v2 =	vimm.f32 $0.0e+00;
	v3 =	vimm.f32 $0.0e+00;
	s25 =	simm.s32 $0x0  }
.LBB2_2:
0x13: {  	s25 =	sor.u32 s6, s25  }
0x14: {  	s26 =	sor.u32 s7, s25  }
0x15: {  	s25 =	sor.u32 s8, s25;
	s26 =	sshrl.u32 s26, $0x3  }
0x16: {  	s25 =	sshrl.u32 s25, $0x3;
	s26 =	sadd.s32 s3, s26  }
0x17: {  	[tilespmem:s5], [sflag:$0x1] =	stream.strided.gather [hbm4b:s26+s15], $0x18700, s16, s15, $0x38;
	[tilespmem:$0x1E780] =	vst v63  }
0x18: {  	s30 =	sadd.s32 s1, s25;
	s26 =	simm.s32 @p1 $0x2  }
0x19: {  	[tilespmem:s17], [sflag:$0x3] =	stream.strided.gather [hbm4b:s30+s15], $0x1000, s16, s15, $0x38;
	[tilespmem:$0x1E780] =	vst v63  }
0x1a: {  	_ =	swait.ge @p1 [sflag:s26], $0x4000  }
0x1b: {  	[sflag:s26] =	ssyncset.done @p1 $0x0  }
0x1c: {  	[sflag:s26] =	ssyncadd.s32 @p1 $0xFFFFC000  }
0x1d: {  	_ =	swait.ge [sflag:s18], $0x18700  }
0x1e: {  	[sflag:s18] =	ssyncset.done $0x0  }
0x1f: {  	[sflag:s18] =	ssyncadd.s32 $0xFFFE7900  }
0x20: {  	_ =	swait.ge [sflag:s19], $0x1000  }
0x21: {  	[sflag:s19] =	ssyncset.done $0x0  }
0x22: {  	s29 =	simm.s32 $0x1C740;
	s31 =	sadd.s32 s25, s9;
	[sflag:s19] =	ssyncadd.s32 $0xFFFFF000  }
0x23: {  	[tilespmem:s20], [sflag:$0x4] =	stream.strided.gather [hbm4b:s31+s15], $0x1000, s16, s15, $0x38;
	[tilespmem:$0x1E780] =	vst v63  }
0x24: {  	v5 =	vld [tilespmem:s29+$0x20]  }
0x25: {  	v11 =	vld [tilespmem:s29+$0x0]  }
0x26: {  	v6 =	vld [tilespmem:s29+$0x10]  }
0x27: {  	v10 =	vld [tilespmem:s29+$0xFFFFFFE0]  }
0x28: {  	v9 =	vld [tilespmem:s29+$0xFFFFFFF0]  }
0x29: {  	v0 =	vld [tilespmem:s29+$0xFFFFFFC0]  }
0x2a: {  	s26 =	simm.s32 $0x18740;
	v1 =	vld [tilespmem:s29+$0xFFFFFFD0]  }
0x2b: {  	v4 =	vld [tilespmem:s26+$0x0]  }
0x2c: {  	v7 =	vld [tilespmem:s26+$0xFFFFFFC0]  }
0x2d: {  	v8 =	vld [tilespmem:s26+$0xFFFFFFD0]  }
0x2e: {  	v12 =	vld [tilespmem:s26+$0xFFFFFFE0]  }
0x2f: {  	v13 =	vld [tilespmem:s26+$0xFFFFFFF0]  }
0x30: {  	v15 =	vld [tilespmem:s26+$0x10]  }
0x31: {  	v19 =	vld [tilespmem:s26+$0x20]  }
0x32: {  	v20 =	vld [tilespmem:s26+$0x30]  }
0x33: {  	v14 =	vld.idx.msk [tilespmem:v4+s5+$0x0], $0xffff  }
0x34: {  	v4 =	vld.idx.msk [tilespmem:v7+s5+$0x0], $0xffff  }
0x35: {  	v7 =	vld.idx.msk [tilespmem:v8+s5+$0x0], $0xffff  }
0x36: {  	v18 =	vld.idx.msk [tilespmem:v12+s5+$0x0], $0xffff  }
0x37: {  	v17 =	vld.idx.msk [tilespmem:v13+s5+$0x0], $0xffff  }
0x38: {  	v16 =	vld.idx.msk [tilespmem:v15+s5+$0x0], $0xffff  }
0x39: {  	v13 =	vld.idx.msk [tilespmem:v19+s5+$0x0], $0xffff  }
0x3a: {  	v12 =	vld.idx.msk [tilespmem:v20+s5+$0x0], $0xffff  }
0x3b: {  	p0 =	por p1, p1;
	s28 =	simm.s32 $0x0;
	v15 =	vld [tilespmem:s29+$0x30];
	s29 =	simm.s32 $0x1C7C0;
	v20 =	vsub.f32 v0, v4;
	v19 =	vsub.f32 v1, v7  }
.LBB2_3:
0x3c: {  	v0 =	vld [tilespmem:s29+$0x20];
	v1 =	vsub.f32 v10, v18  }
0x3d: {  	v9 =	vsub.f32 v9, v17;
	v4 =	vld [tilespmem:s29+$0x0];
	v7 =	vmul.f32 v20, v20;
	v8 =	vmul.f32 v19, v19  }
0x3e: {  	v11 =	vsub.f32 v11, v14;
	v14 =	vsub.f32 v6, v16;
	v1 =	vmul.f32 v1, v1;
	v6 =	vld [tilespmem:s29+$0x10]  }
0x3f: {  	v10 =	vld [tilespmem:s29+$0xFFFFFFE0];
	v3 =	vadd.f32 v7, v3;
	v2 =	vadd.f32 v8, v2;
	v7 =	vmul.f32 v9, v9  }
0x40: {  	v13 =	vsub.f32 v5, v13;
	v8 =	vmul.f32 v11, v11;
	v9 =	vld [tilespmem:s29+$0xFFFFFFF0];
	v12 =	vsub.f32 v15, v12  }
0x41: {  	v15 =	vld [tilespmem:s29+$0xFFFFFFC0];
	v1 =	vadd.f32 v1, v3;
	v2 =	vadd.f32 v7, v2;
	v3 =	vmul.f32 v14, v14;
	v5 =	vmovc v0  }
0x42: {  	s26 =	sadd.s32 $0x80, s26;
	v7 =	vmul.f32 v13, v13;
	v0 =	vld [tilespmem:s29+$0xFFFFFFD0];
	v11 =	vmov v4  }
0x43: {  	v4 =	vld [tilespmem:s26+$0x0];
	v1 =	vadd.f32 v8, v1;
	v2 =	vadd.f32 v3, v2;
	v8 =	vmul.f32 v12, v12  }
0x44: {  	v12 =	vld [tilespmem:s26+$0xFFFFFFC0]  }
0x45: {  	s28 =	sadd.s32 $0x2, s28;
	v13 =	vld [tilespmem:s26+$0xFFFFFFD0];
	v3 =	vadd.f32 v7, v1;
	v2 =	vadd.f32 v8, v2  }
0x46: {  	p1 =	slt.u32 s28, $0x3E;
	v1 =	vld [tilespmem:s26+$0xFFFFFFE0]  }
0x47: {  	v7 =	vld [tilespmem:s26+$0xFFFFFFF0]  }
0x48: {  	v8 =	vld [tilespmem:s26+$0x10]  }
0x49: {  	v19 =	vld [tilespmem:s26+$0x20]  }
0x4a: {  	v20 =	vld [tilespmem:s26+$0x30]  }
0x4b: {  	v14 =	vld.idx.msk [tilespmem:v4+s5+$0x0], $0xffff  }
0x4c: {  	v4 =	vld.idx.msk [tilespmem:v12+s5+$0x0], $0xffff  }
0x4d: {  	v21 =	vld.idx.msk [tilespmem:v13+s5+$0x0], $0xffff  }
0x4e: {  	v18 =	vld.idx.msk [tilespmem:v1+s5+$0x0], $0xffff  }
.Ltmp0:
0x4f: {  	v17 =	vld.idx.msk [tilespmem:v7+s5+$0x0], $0xffff;
	(pc) =	sbr.rel @p1 .LBB2_3-.Ltmp0, $4  }
0x50: {  	v16 =	vld.idx.msk [tilespmem:v8+s5+$0x0], $0xffff  }
0x51: {  	v13 =	vld.idx.msk [tilespmem:v19+s5+$0x0], $0xffff  }
0x52: {  	v12 =	vld.idx.msk [tilespmem:v20+s5+$0x0], $0xffff  }
0x53: {  	v20 =	vsub.f32 v15, v4;
	v19 =	vsub.f32 v0, v21;
	v15 =	vld [tilespmem:s29+$0x30];
	s29 =	sadd.s32 $0x80, s29  }
0x54: {  	_ =	swait.ge [sflag:s21], $0x1000  }
0x55: {  	[sflag:s21] =	ssyncset.done $0x0  }
0x56: {  	s26 =	sadd.s32 s25, s10;
	s29 =	simm.s32 $0x1D740;
	[sflag:s21] =	ssyncadd.s32 $0xFFFFF000  }
0x57: {  	[tilespmem:s17], [sflag:$0x3] =	stream.strided.gather [hbm4b:s26+s15], $0x1000, s16, s15, $0x38;
	[tilespmem:$0x1E780] =	vst v63  }
0x58: {  	v0 =	vld [tilespmem:s29+$0x20]  }
0x59: {  	v8 =	vld [tilespmem:s29+$0x0]  }
0x5a: {  	v1 =	vld [tilespmem:s29+$0x10]  }
0x5b: {  	v7 =	vld [tilespmem:s29+$0xFFFFFFE0]  }
0x5c: {  	v4 =	vld [tilespmem:s29+$0xFFFFFFF0]  }
0x5d: {  	v21 =	vld [tilespmem:s29+$0xFFFFFFC0]  }
0x5e: {  	s26 =	simm.s32 $0x19770;
	v22 =	vld [tilespmem:s29+$0xFFFFFFD0]  }
0x5f: {  	v23 =	vld [tilespmem:s26+$0xFFFFFFD0]  }
0x60: {  	v24 =	vld [tilespmem:s26+$0xFFFFFF90]  }
0x61: {  	v25 =	vld [tilespmem:s26+$0xFFFFFFA0]  }
0x62: {  	v26 =	vld [tilespmem:s26+$0xFFFFFFB0]  }
0x63: {  	v27 =	vld [tilespmem:s26+$0xFFFFFFC0]  }
0x64: {  	v28 =	vld [tilespmem:s26+$0xFFFFFFE0]  }
0x65: {  	v10 =	vsub.f32 v10, v18;
	v18 =	vmul.f32 v20, v20;
	v20 =	vld [tilespmem:s26+$0xFFFFFFF0]  }
0x66: {  	v9 =	vsub.f32 v9, v17;
	v14 =	vsub.f32 v11, v14;
	v19 =	vmul.f32 v19, v19;
	v29 =	vld [tilespmem:s26+$0x0]  }
0x67: {  	v6 =	vsub.f32 v6, v16;
	v10 =	vmul.f32 v10, v10;
	v12 =	vsub.f32 v15, v12;
	v15 =	vld [tilespmem:s29+$0x30]  }
0x68: {  	v9 =	vmul.f32 v9, v9;
	v3 =	vadd.f32 v18, v3;
	v2 =	vadd.f32 v19, v2;
	v11 =	vld.idx.msk [tilespmem:v23+s5+$0x0], $0xffff  }
0x69: {  	v5 =	vsub.f32 v5, v13;
	v6 =	vmul.f32 v6, v6;
	v19 =	vld.idx.msk [tilespmem:v24+s5+$0x0], $0xffff  }
0x6a: {  	v3 =	vadd.f32 v10, v3;
	v10 =	vmul.f32 v14, v14;
	v2 =	vadd.f32 v9, v2;
	v23 =	vld.idx.msk [tilespmem:v25+s5+$0x0], $0xffff  }
0x6b: {  	v5 =	vmul.f32 v5, v5;
	v18 =	vld.idx.msk [tilespmem:v26+s5+$0x0], $0xffff  }
0x6c: {  	v3 =	vadd.f32 v10, v3;
	v2 =	vadd.f32 v6, v2;
	v6 =	vmul.f32 v12, v12;
	v17 =	vld.idx.msk [tilespmem:v27+s5+$0x0], $0xffff  }
0x6d: {  	v16 =	vld.idx.msk [tilespmem:v28+s5+$0x0], $0xffff  }
0x6e: {  	v12 =	vadd.f32 v5, v3;
	v10 =	vadd.f32 v6, v2;
	v13 =	vld.idx.msk [tilespmem:v20+s5+$0x0], $0xffff  }
0x6f: {  	s28 =	simm.s32 $0x0;
	s29 =	simm.s32 $0x1D7C0;
	v14 =	vld.idx.msk [tilespmem:v29+s5+$0x0], $0xffff;
	v20 =	vsub.f32 v21, v19;
	v19 =	vsub.f32 v22, v23  }
.LBB2_5:
0x70: {  	v2 =	vld [tilespmem:s29+$0x20];
	v3 =	vsub.f32 v7, v18  }
0x71: {  	v4 =	vsub.f32 v4, v17;
	v5 =	vld [tilespmem:s29+$0x0];
	v6 =	vmul.f32 v20, v20;
	v9 =	vmul.f32 v19, v19  }
0x72: {  	v8 =	vsub.f32 v8, v11;
	v11 =	vsub.f32 v1, v16;
	v3 =	vmul.f32 v3, v3;
	v1 =	vld [tilespmem:s29+$0x10]  }
0x73: {  	v7 =	vld [tilespmem:s29+$0xFFFFFFE0];
	v6 =	vadd.f32 v6, v12;
	v9 =	vadd.f32 v9, v10;
	v10 =	vmul.f32 v4, v4  }
0x74: {  	v16 =	vsub.f32 v0, v13;
	v12 =	vmul.f32 v8, v8;
	v4 =	vld [tilespmem:s29+$0xFFFFFFF0];
	v13 =	vsub.f32 v15, v14  }
0x75: {  	v15 =	vld [tilespmem:s29+$0xFFFFFFC0];
	v3 =	vadd.f32 v3, v6;
	v6 =	vadd.f32 v10, v9;
	v9 =	vmul.f32 v11, v11;
	v0 =	vmovc v2  }
0x76: {  	s26 =	sadd.s32 $0x80, s26;
	v10 =	vmul.f32 v16, v16;
	v2 =	vld [tilespmem:s29+$0xFFFFFFD0];
	v8 =	vmov v5  }
0x77: {  	v5 =	vld [tilespmem:s26+$0xFFFFFFD0];
	v3 =	vadd.f32 v12, v3;
	v6 =	vadd.f32 v9, v6;
	v9 =	vmul.f32 v13, v13  }
0x78: {  	v13 =	vld [tilespmem:s26+$0xFFFFFF90]  }
0x79: {  	s28 =	sadd.s32 $0x2, s28;
	v14 =	vld [tilespmem:s26+$0xFFFFFFA0];
	v12 =	vadd.f32 v10, v3;
	v10 =	vadd.f32 v9, v6  }
0x7a: {  	p1 =	slt.u32 s28, $0x3E;
	v3 =	vld [tilespmem:s26+$0xFFFFFFB0]  }
0x7b: {  	v6 =	vld [tilespmem:s26+$0xFFFFFFC0]  }
0x7c: {  	v9 =	vld [tilespmem:s26+$0xFFFFFFE0]  }
0x7d: {  	v19 =	vld [tilespmem:s26+$0xFFFFFFF0]  }
0x7e: {  	v20 =	vld [tilespmem:s26+$0x0]  }
0x7f: {  	v11 =	vld.idx.msk [tilespmem:v5+s5+$0x0], $0xffff  }
0x80: {  	v5 =	vld.idx.msk [tilespmem:v13+s5+$0x0], $0xffff  }
0x81: {  	v21 =	vld.idx.msk [tilespmem:v14+s5+$0x0], $0xffff  }
0x82: {  	v18 =	vld.idx.msk [tilespmem:v3+s5+$0x0], $0xffff  }
.Ltmp1:
0x83: {  	v17 =	vld.idx.msk [tilespmem:v6+s5+$0x0], $0xffff;
	(pc) =	sbr.rel @p1 .LBB2_5-.Ltmp1, $4  }
0x84: {  	v16 =	vld.idx.msk [tilespmem:v9+s5+$0x0], $0xffff  }
0x85: {  	v13 =	vld.idx.msk [tilespmem:v19+s5+$0x0], $0xffff  }
0x86: {  	v14 =	vld.idx.msk [tilespmem:v20+s5+$0x0], $0xffff  }
0x87: {  	v20 =	vsub.f32 v15, v5;
	v19 =	vsub.f32 v2, v21;
	v15 =	vld [tilespmem:s29+$0x30];
	s29 =	sadd.s32 $0x80, s29  }
0x88: {  	_ =	swait.ge [sflag:s19], $0x1000  }
0x89: {  	[sflag:s19] =	ssyncset.done $0x0  }
0x8a: {  	s25 =	sadd.s32 s25, s11;
	s28 =	simm.s32 $0x1C740;
	[sflag:s19] =	ssyncadd.s32 $0xFFFFF000  }
0x8b: {  	[tilespmem:s20], [sflag:$0x4] =	stream.strided.gather [hbm4b:s25+s15], $0x1000, s16, s15, $0x38;
	[tilespmem:$0x1E780] =	vst v63  }
0x8c: {  	v2 =	vld [tilespmem:s28+$0x20]  }
0x8d: {  	v9 =	vld [tilespmem:s28+$0x0]  }
0x8e: {  	v3 =	vld [tilespmem:s28+$0x10]  }
0x8f: {  	v6 =	vld [tilespmem:s28+$0xFFFFFFE0]  }
0x90: {  	v5 =	vld [tilespmem:s28+$0xFFFFFFF0]  }
0x91: {  	v21 =	vld [tilespmem:s28+$0xFFFFFFC0]  }
0x92: {  	s25 =	simm.s32 $0x1A770;
	v22 =	vld [tilespmem:s28+$0xFFFFFFD0]  }
0x93: {  	v23 =	vld [tilespmem:s25+$0xFFFFFFD0]  }
0x94: {  	v24 =	vld [tilespmem:s25+$0xFFFFFF90]  }
0x95: {  	v25 =	vld [tilespmem:s25+$0xFFFFFFA0]  }
0x96: {  	v26 =	vld [tilespmem:s25+$0xFFFFFFB0]  }
0x97: {  	v7 =	vsub.f32 v7, v18;
	v18 =	vmul.f32 v20, v20;
	v27 =	vld [tilespmem:s25+$0xFFFFFFC0]  }
0x98: {  	v28 =	vld [tilespmem:s25+$0xFFFFFFE0]  }
0x99: {  	v7 =	vmul.f32 v7, v7;
	v12 =	vadd.f32 v18, v12;
	v20 =	vld [tilespmem:s25+$0xFFFFFFF0]  }
0x9a: {  	v4 =	vsub.f32 v4, v17;
	v8 =	vsub.f32 v8, v11;
	v19 =	vmul.f32 v19, v19;
	v29 =	vld [tilespmem:s25+$0x0]  }
0x9b: {  	v7 =	vadd.f32 v7, v12;
	v12 =	vsub.f32 v15, v14;
	v15 =	vld [tilespmem:s28+$0x30]  }
0x9c: {  	v1 =	vsub.f32 v1, v16;
	v4 =	vmul.f32 v4, v4;
	v10 =	vadd.f32 v19, v10;
	v11 =	vld.idx.msk [tilespmem:v23+s5+$0x0], $0xffff  }
0x9d: {  	v0 =	vsub.f32 v0, v13;
	v19 =	vld.idx.msk [tilespmem:v24+s5+$0x0], $0xffff  }
0x9e: {  	v8 =	vmul.f32 v8, v8;
	v1 =	vmul.f32 v1, v1;
	v4 =	vadd.f32 v4, v10;
	v23 =	vld.idx.msk [tilespmem:v25+s5+$0x0], $0xffff  }
0x9f: {  	v0 =	vmul.f32 v0, v0;
	v18 =	vld.idx.msk [tilespmem:v26+s5+$0x0], $0xffff  }
0xa0: {  	v7 =	vadd.f32 v8, v7;
	v1 =	vadd.f32 v1, v4;
	v4 =	vmul.f32 v12, v12;
	v17 =	vld.idx.msk [tilespmem:v27+s5+$0x0], $0xffff  }
0xa1: {  	v16 =	vld.idx.msk [tilespmem:v28+s5+$0x0], $0xffff  }
0xa2: {  	v12 =	vadd.f32 v0, v7;
	v10 =	vadd.f32 v4, v1;
	v13 =	vld.idx.msk [tilespmem:v20+s5+$0x0], $0xffff  }
0xa3: {  	s26 =	simm.s32 $0x0;
	s28 =	simm.s32 $0x1C7C0;
	v14 =	vld.idx.msk [tilespmem:v29+s5+$0x0], $0xffff;
	v20 =	vsub.f32 v21, v19;
	v19 =	vsub.f32 v22, v23  }
.LBB2_7:
0xa4: {  	v0 =	vld [tilespmem:s28+$0x20];
	v1 =	vsub.f32 v6, v18  }
0xa5: {  	v5 =	vsub.f32 v5, v17;
	v4 =	vld [tilespmem:s28+$0x0];
	v7 =	vmul.f32 v20, v20;
	v8 =	vmul.f32 v19, v19  }
0xa6: {  	v9 =	vsub.f32 v9, v11;
	v11 =	vsub.f32 v3, v16;
	v1 =	vmul.f32 v1, v1;
	v3 =	vld [tilespmem:s28+$0x10]  }
0xa7: {  	v6 =	vld [tilespmem:s28+$0xFFFFFFE0];
	v7 =	vadd.f32 v7, v12;
	v8 =	vadd.f32 v8, v10;
	v10 =	vmul.f32 v5, v5  }
0xa8: {  	v16 =	vsub.f32 v2, v13;
	v12 =	vmul.f32 v9, v9;
	v5 =	vld [tilespmem:s28+$0xFFFFFFF0];
	v13 =	vsub.f32 v15, v14  }
0xa9: {  	v15 =	vld [tilespmem:s28+$0xFFFFFFC0];
	v1 =	vadd.f32 v1, v7;
	v7 =	vadd.f32 v10, v8;
	v8 =	vmul.f32 v11, v11;
	v2 =	vmovc v0  }
0xaa: {  	s25 =	sadd.s32 $0x80, s25;
	v10 =	vmul.f32 v16, v16;
	v0 =	vld [tilespmem:s28+$0xFFFFFFD0];
	v9 =	vmov v4  }
0xab: {  	v4 =	vld [tilespmem:s25+$0xFFFFFFD0];
	v1 =	vadd.f32 v12, v1;
	v7 =	vadd.f32 v8, v7;
	v8 =	vmul.f32 v13, v13  }
0xac: {  	v13 =	vld [tilespmem:s25+$0xFFFFFF90]  }
0xad: {  	s26 =	sadd.s32 $0x2, s26;
	v14 =	vld [tilespmem:s25+$0xFFFFFFA0];
	v12 =	vadd.f32 v10, v1;
	v10 =	vadd.f32 v8, v7  }
0xae: {  	p1 =	slt.u32 s26, $0x3E;
	v1 =	vld [tilespmem:s25+$0xFFFFFFB0]  }
0xaf: {  	v7 =	vld [tilespmem:s25+$0xFFFFFFC0]  }
0xb0: {  	v8 =	vld [tilespmem:s25+$0xFFFFFFE0]  }
0xb1: {  	v19 =	vld [tilespmem:s25+$0xFFFFFFF0]  }
0xb2: {  	v20 =	vld [tilespmem:s25+$0x0]  }
0xb3: {  	v11 =	vld.idx.msk [tilespmem:v4+s5+$0x0], $0xffff  }
0xb4: {  	v4 =	vld.idx.msk [tilespmem:v13+s5+$0x0], $0xffff  }
0xb5: {  	v21 =	vld.idx.msk [tilespmem:v14+s5+$0x0], $0xffff  }
0xb6: {  	v18 =	vld.idx.msk [tilespmem:v1+s5+$0x0], $0xffff  }
.Ltmp2:
0xb7: {  	v17 =	vld.idx.msk [tilespmem:v7+s5+$0x0], $0xffff;
	(pc) =	sbr.rel @p1 .LBB2_7-.Ltmp2, $4  }
0xb8: {  	v16 =	vld.idx.msk [tilespmem:v8+s5+$0x0], $0xffff  }
0xb9: {  	v13 =	vld.idx.msk [tilespmem:v19+s5+$0x0], $0xffff  }
0xba: {  	v14 =	vld.idx.msk [tilespmem:v20+s5+$0x0], $0xffff  }
0xbb: {  	v20 =	vsub.f32 v15, v4;
	v19 =	vsub.f32 v0, v21;
	v15 =	vld [tilespmem:s28+$0x30];
	s28 =	sadd.s32 $0x80, s28  }
0xbc: {  	_ =	swait.ge [sflag:s21], $0x1000  }
0xbd: {  	[sflag:s21] =	ssyncset.done $0x0  }
0xbe: {  	s28 =	simm.s32 $0x1D740;
	[sflag:s21] =	ssyncadd.s32 $0xFFFFF000  }
0xbf: {  	v0 =	vld [tilespmem:s28+$0x20]  }
0xc0: {  	v8 =	vld [tilespmem:s28+$0x0]  }
0xc1: {  	v1 =	vld [tilespmem:s28+$0x10]  }
0xc2: {  	v7 =	vld [tilespmem:s28+$0xFFFFFFE0]  }
0xc3: {  	v4 =	vld [tilespmem:s28+$0xFFFFFFF0]  }
0xc4: {  	v21 =	vld [tilespmem:s28+$0xFFFFFFC0]  }
0xc5: {  	s25 =	simm.s32 $0x1B770;
	v6 =	vsub.f32 v6, v18;
	v62 =	vmul.f32 v20, v20;
	v22 =	vld [tilespmem:s28+$0xFFFFFFD0]  }
0xc6: {  	v17 =	vsub.f32 v5, v17;
	v19 =	vmul.f32 v19, v19;
	v23 =	vld [tilespmem:s25+$0xFFFFFFD0]  }
0xc7: {  	v9 =	vsub.f32 v9, v11;
	v6 =	vmul.f32 v6, v6;
	v24 =	vld [tilespmem:s25+$0xFFFFFF90];
	v11 =	vadd.f32 v62, v12  }
0xc8: {  	v3 =	vsub.f32 v3, v16;
	v25 =	vld [tilespmem:s25+$0xFFFFFFA0];
	v10 =	vadd.f32 v19, v10;
	v12 =	vmul.f32 v17, v17  }
0xc9: {  	v26 =	vld [tilespmem:s25+$0xFFFFFFB0];
	v6 =	vadd.f32 v6, v11  }
0xca: {  	v27 =	vld [tilespmem:s25+$0xFFFFFFC0];
	v3 =	vmul.f32 v3, v3;
	v11 =	vsub.f32 v15, v14;
	v10 =	vadd.f32 v12, v10  }
0xcb: {  	v28 =	vld [tilespmem:s25+$0xFFFFFFE0]  }
0xcc: {  	v63 =	vld [tilespmem:s25+$0xFFFFFFF0];
	v3 =	vadd.f32 v3, v10;
	v10 =	vmul.f32 v11, v11  }
0xcd: {  	v29 =	vld [tilespmem:s25+$0x0]  }
0xce: {  	v3 =	vadd.f32 v10, v3;
	v10 =	vld [tilespmem:s28+$0x30]  }
0xcf: {  	v5 =	vld.idx.msk [tilespmem:v23+s5+$0x0], $0xffff  }
0xd0: {  	v16 =	vld.idx.msk [tilespmem:v24+s5+$0x0], $0xffff  }
0xd1: {  	v2 =	vsub.f32 v2, v13;
	v9 =	vmul.f32 v9, v9;
	v17 =	vld.idx.msk [tilespmem:v25+s5+$0x0], $0xffff  }
0xd2: {  	v13 =	vld.idx.msk [tilespmem:v26+s5+$0x0], $0xffff  }
0xd3: {  	v2 =	vmul.f32 v2, v2;
	v9 =	vadd.f32 v9, v6;
	v12 =	vld.idx.msk [tilespmem:v27+s5+$0x0], $0xffff  }
0xd4: {  	v11 =	vld.idx.msk [tilespmem:v28+s5+$0x0], $0xffff  }
0xd5: {  	v2 =	vadd.f32 v2, v9;
	v6 =	vld.idx.msk [tilespmem:v63+s5+$0x0], $0xffff  }
0xd6: {  	s26 =	simm.s32 $0x0;
	s28 =	simm.s32 $0x1D7C0;
	v9 =	vld.idx.msk [tilespmem:v29+s5+$0x0], $0xffff;
	v14 =	vsub.f32 v21, v16;
	v15 =	vsub.f32 v22, v17  }
.LBB2_9:
0xd7: {  	v16 =	vld [tilespmem:s28+$0x20];
	v7 =	vsub.f32 v7, v13  }
0xd8: {  	v4 =	vsub.f32 v4, v12;
	v13 =	vld [tilespmem:s28+$0x0];
	v14 =	vmul.f32 v14, v14;
	v15 =	vmul.f32 v15, v15  }
0xd9: {  	v5 =	vsub.f32 v8, v5;
	v8 =	vsub.f32 v1, v11;
	v12 =	vmul.f32 v7, v7;
	v1 =	vld [tilespmem:s28+$0x10]  }
0xda: {  	v11 =	vmul.f32 v4, v4;
	v7 =	vld [tilespmem:s28+$0xFFFFFFE0];
	v2 =	vadd.f32 v14, v2;
	v3 =	vadd.f32 v15, v3  }
0xdb: {  	v5 =	vmul.f32 v5, v5;
	v6 =	vsub.f32 v0, v6;
	v4 =	vld [tilespmem:s28+$0xFFFFFFF0];
	v9 =	vsub.f32 v10, v9  }
0xdc: {  	v10 =	vld [tilespmem:s28+$0xFFFFFFC0];
	v2 =	vadd.f32 v12, v2;
	v3 =	vadd.f32 v11, v3;
	v11 =	vmul.f32 v8, v8;
	v0 =	vmovc v16  }
0xdd: {  	s25 =	sadd.s32 $0x80, s25;
	v6 =	vmul.f32 v6, v6;
	v15 =	vld [tilespmem:s28+$0xFFFFFFD0];
	v8 =	vmov v13  }
0xde: {  	v12 =	vld [tilespmem:s25+$0xFFFFFFD0];
	v2 =	vadd.f32 v5, v2;
	v3 =	vadd.f32 v11, v3;
	v5 =	vmul.f32 v9, v9  }
0xdf: {  	v9 =	vld [tilespmem:s25+$0xFFFFFF90]  }
0xe0: {  	s26 =	sadd.s32 $0x2, s26;
	v11 =	vld [tilespmem:s25+$0xFFFFFFA0];
	v2 =	vadd.f32 v6, v2;
	v3 =	vadd.f32 v5, v3  }
0xe1: {  	p1 =	slt.u32 s26, $0x3E;
	v6 =	vld [tilespmem:s25+$0xFFFFFFB0]  }
0xe2: {  	v14 =	vld [tilespmem:s25+$0xFFFFFFC0]  }
0xe3: {  	v16 =	vld [tilespmem:s25+$0xFFFFFFE0]  }
0xe4: {  	v17 =	vld [tilespmem:s25+$0xFFFFFFF0]  }
0xe5: {  	v18 =	vld [tilespmem:s25+$0x0]  }
0xe6: {  	v5 =	vld.idx.msk [tilespmem:v12+s5+$0x0], $0xffff  }
0xe7: {  	v19 =	vld.idx.msk [tilespmem:v9+s5+$0x0], $0xffff  }
0xe8: {  	v20 =	vld.idx.msk [tilespmem:v11+s5+$0x0], $0xffff  }
0xe9: {  	v13 =	vld.idx.msk [tilespmem:v6+s5+$0x0], $0xffff  }
.Ltmp3:
0xea: {  	v12 =	vld.idx.msk [tilespmem:v14+s5+$0x0], $0xffff;
	(pc) =	sbr.rel @p1 .LBB2_9-.Ltmp3, $4  }
0xeb: {  	v11 =	vld.idx.msk [tilespmem:v16+s5+$0x0], $0xffff  }
0xec: {  	v6 =	vld.idx.msk [tilespmem:v17+s5+$0x0], $0xffff  }
0xed: {  	v9 =	vld.idx.msk [tilespmem:v18+s5+$0x0], $0xffff  }
0xee: {  	v14 =	vsub.f32 v10, v19;
	v15 =	vsub.f32 v15, v20;
	v10 =	vld [tilespmem:s28+$0x30];
	s28 =	sadd.s32 $0x80, s28  }
0xef: {  	v7 =	vsub.f32 v7, v13  }
0xf0: {  	v4 =	vsub.f32 v4, v12;
	v61 =	vmul.f32 v14, v14;
	v62 =	vmul.f32 v15, v15  }
0xf1: {  	v5 =	vsub.f32 v8, v5;
	v1 =	vsub.f32 v1, v11;
	v7 =	vmul.f32 v7, v7  }
0xf2: {  	v4 =	vmul.f32 v4, v4;
	v2 =	vadd.f32 v61, v2;
	v3 =	vadd.f32 v62, v3  }
0xf3: {  	v5 =	vmul.f32 v5, v5;
	v0 =	vsub.f32 v0, v6;
	v63 =	vsub.f32 v10, v9  }
.Ltmp4:
0xf4: {  	v1 =	vmul.f32 v1, v1;
	v2 =	vadd.f32 v7, v2;
	v3 =	vadd.f32 v4, v3;
	(pc) =	sbr.rel @p0 .LBB2_2-.Ltmp4, $3  }
0xf5: {  	v0 =	vmul.f32 v0, v0  }
0xf6: {  	v4 =	vmul.f32 v63, v63;
	v2 =	vadd.f32 v5, v2;
	v1 =	vadd.f32 v1, v3;
	_ =	sdelay $0x1  }
0xf7: {  	s25 =	simm.s32 $0x80;
	p1 =	por $0x0, $0x0;
	v3 =	vadd.f32 v0, v2;
	v2 =	vadd.f32 v4, v1  }
0xf8: {  	_ = 	snop  }
0xf9: {  	s24 =	sadd.s32 $0x1, s24;
	v0 =	vadd.f32 v2, v3  }
0xfa: {  	p0 =	sne.s32 s24, s13  }
.Ltmp5:
0xfb: {  	[tilespmem:$0x1E700] =	vst v0;
	(pc) =	sbr.rel @p0 .LBB2_1-.Ltmp5, $4  }
0xfc: {  	[hbm4b:s12+s5] =	stream.linear.scatter [tilespmem:s22], [sflag:$0x5], $0x10, $0x38;
	[tilespmem:$0x1E780] =	vst v63  }
0xfd: {  	_ =	swait.ge [sflag:s23], $0x10  }
0xfe: {  	[sflag:s23] =	ssyncset.done $0x0  }
0xff: {  	[sflag:s23] =	ssyncadd.s32 $0xFFFFFFF0  }
0x100: {  	_ =	sfence.sel $0x180000  }
0x101: {  	[bflag:$0x0] =	sbarrier.arrive $0xFFFF  }
0x102: {  	p0 =	sne.s32 s4, $0x0;
	_ =	strace $0x90000047  }
0x103: {  	s0 =	sadd.s32 @!p0 $0x100000, s0;
	[bflag:$0x2] =	sbarrier.arrive $0xFFFF  }
0x104: {  	[sflag:s0] =	ssyncadd.tile.s32 @!p0 $0x1;
	_ =	shalt  }
.Lfunc_end2:
_tile_overlayer_lowered:
.L_overlay_start_2:
0x105: {  	(tag) =	ssettag $0x2  }
0x106: {  	s0 =	rddreg [dreg:$0x0];
	s2 =	stileid.u32  }
0x107: {  	s1 =	rddreg [dreg:$0x1];
	p0 =	sne.s32 s2, $0x0  }
0x108: {  	s3 =	rddreg [dreg:$0x2];
	[bflag:$0x3] =	sbarrier.arrive $0xFFFF;
	s2 =	simm.s32 @!p0 $0x1C05  }
0x109: {  	[timem:s3], [sflag:s2] =	dma.local @!p0 [hbm:s0], s1  }
0x10a: {  	s0 =	simm.s32 @!p0 $0x5  }
0x10b: {  	_ =	swait.ge @!p0 [sflag:s0], s1  }
0x10c: {  	s1 =	ssub.s32 @!p0 $0x0, s1;
	[sflag:s0] =	ssyncset.done @!p0 $0x0  }
0x10d: {  	[sflag:s0] =	ssyncadd.s32 @!p0 s1  }
0x10e: {  	[bflag:$0x3] =	sbarrier.arrive $0xFFFF  }
0x10f: {  	_ =	shalt  }

</sc_bundles>
